<compile_context>
chip_gen: v7x
topology: tpu7x:2x2x1
jax: 0.10.2.dev20260603
libtpu: 0.0.44.dev20260713+nightly
codegen_flags: <defaults>
</compile_context>

<pallas_src>
import functools

import jax
import jax.numpy as jnp
from jax import lax
from jax.experimental import pallas as pl
from jax.experimental.pallas import tpu as pltpu
from jax.experimental.pallas import tpu_sc as plsc

B = 4096
D = 32
W = 128
R = W // D
G = 16
NC, NS = 2, 16
NW = NC * NS
BPW = B // NW
ROWS_BLK = 256


def _sc_gather(ue4, ie4, ub16, ib16, uidx4, iidx4, uidx16, iidx16):
    f32 = jnp.float32
    mesh = plsc.VectorSubcoreMesh(core_axis_name="c", subcore_axis_name="s")

    @functools.partial(
        pl.kernel,
        compiler_params=pltpu.CompilerParams(use_tc_tiling_on_sc=False),
        out_type=[
            jax.ShapeDtypeStruct((B, W), f32),
            jax.ShapeDtypeStruct((B, W), f32),
            jax.ShapeDtypeStruct((B, G), f32),
            jax.ShapeDtypeStruct((B, G), f32),
        ],
        mesh=mesh,
        scratch_types=[
            pltpu.VMEM((BPW,), jnp.int32),
            pltpu.VMEM((BPW,), jnp.int32),
            pltpu.VMEM((BPW,), jnp.int32),
            pltpu.VMEM((BPW,), jnp.int32),
            pltpu.VMEM((BPW, W), f32),
            pltpu.VMEM((BPW, W), f32),
            pltpu.VMEM((BPW, G), f32),
            pltpu.VMEM((BPW, G), f32),
            pltpu.SemaphoreType.DMA,
            pltpu.SemaphoreType.DMA,
            pltpu.SemaphoreType.DMA,
            pltpu.SemaphoreType.DMA,
        ],
    )
    def k(ue_hbm, ie_hbm, ub_hbm, ib_hbm, ui4_hbm, ii4_hbm, ui16_hbm, ii16_hbm,
          ue_out, ie_out, ubr_out, ibr_out,
          uidx4_v, iidx4_v, uidx16_v, iidx16_v, urows_v, irows_v, ub_v, ib_v,
          sem_u, sem_i, sem_ub, sem_ib):
        wid = lax.axis_index("s") * NC + lax.axis_index("c")
        base = wid * BPW
        pltpu.sync_copy(ui4_hbm.at[pl.ds(base, BPW)], uidx4_v)
        pltpu.sync_copy(ii4_hbm.at[pl.ds(base, BPW)], iidx4_v)
        pltpu.sync_copy(ui16_hbm.at[pl.ds(base, BPW)], uidx16_v)
        pltpu.sync_copy(ii16_hbm.at[pl.ds(base, BPW)], iidx16_v)
        cu = pltpu.async_copy(ue_hbm.at[uidx4_v], urows_v, sem_u)
        ci = pltpu.async_copy(ie_hbm.at[iidx4_v], irows_v, sem_i)
        cub = pltpu.async_copy(ub_hbm.at[uidx16_v], ub_v, sem_ub)
        cib = pltpu.async_copy(ib_hbm.at[iidx16_v], ib_v, sem_ib)
        cu.wait()
        ci.wait()
        cub.wait()
        cib.wait()
        pltpu.sync_copy(urows_v, ue_out.at[pl.ds(base, BPW)])
        pltpu.sync_copy(irows_v, ie_out.at[pl.ds(base, BPW)])
        pltpu.sync_copy(ub_v, ubr_out.at[pl.ds(base, BPW)])
        pltpu.sync_copy(ib_v, ibr_out.at[pl.ds(base, BPW)])

    return k(ue4, ie4, ub16, ib16, uidx4, iidx4, uidx16, iidx16)


def _tc_body(ue_ref, ie_ref, ubr_ref, ibr_ref, ug_ref, ig_ref,
             umod_ref, imod_ref, out_ref, sig_ref):
    @pl.when(pl.program_id(0) == 0)
    def _():
        ue = ue_ref[...]
        ie = ie_ref[...]
        ug = ug_ref[...]
        ig = ig_ref[...]
        sig = jnp.zeros((B,), jnp.float32)
        for a in range(R):
            ua = ue[:, a * D:(a + 1) * D]
            for b in range(R):
                s_ab = jnp.sum(ua * ie[:, b * D:(b + 1) * D], axis=1)
                m_ab = (ug[:, 0] == a) & (ig[:, 0] == b)
                sig = sig + jnp.where(m_ab, s_ab, 0.0)
        sig_ref[...] = sig[None, :]

    lane = lax.broadcasted_iota(jnp.int32, (ROWS_BLK, G), 1)
    ub = jnp.where(lane == umod_ref[...], ubr_ref[...], 0.0).sum(
        axis=1, keepdims=True)
    ib = jnp.where(lane == imod_ref[...], ibr_ref[...], 0.0).sum(
        axis=1, keepdims=True)
    out_ref[...] = sig_ref[...] + (ub + ib)


def kernel(user_ids, item_ids, user_emb, item_emb, user_bias, item_bias):
    uidx = user_ids.astype(jnp.int32)
    iidx = item_ids.astype(jnp.int32)
    uidx4 = uidx // R
    iidx4 = iidx // R
    ugrp = (uidx % R).reshape(B, 1)
    igrp = (iidx % R).reshape(B, 1)
    uidx16 = uidx // G
    iidx16 = iidx // G
    umod = (uidx % G).reshape(B, 1)
    imod = (iidx % G).reshape(B, 1)
    ue4 = user_emb.reshape(-1, W)
    ie4 = item_emb.reshape(-1, W)
    ub16 = user_bias.reshape(-1, G)
    ib16 = item_bias.reshape(-1, G)
    ue, ie, ubr, ibr = _sc_gather(
        ue4, ie4, ub16, ib16, uidx4, iidx4, uidx16, iidx16)
    out = pl.pallas_call(
        _tc_body,
        grid=(B // ROWS_BLK,),
        in_specs=[
            pl.BlockSpec((B, W), lambda i: (0, 0)),
            pl.BlockSpec((B, W), lambda i: (0, 0)),
            pl.BlockSpec((ROWS_BLK, G), lambda i: (i, 0)),
            pl.BlockSpec((ROWS_BLK, G), lambda i: (i, 0)),
            pl.BlockSpec((B, 1), lambda i: (0, 0)),
            pl.BlockSpec((B, 1), lambda i: (0, 0)),
            pl.BlockSpec((ROWS_BLK, 1), lambda i: (i, 0)),
            pl.BlockSpec((ROWS_BLK, 1), lambda i: (i, 0)),
        ],
        out_specs=pl.BlockSpec((ROWS_BLK, B), lambda i: (i, 0)),
        out_shape=jax.ShapeDtypeStruct((B, B), jnp.float32),
        scratch_shapes=[pltpu.VMEM((1, B), jnp.float32)],
    )(ue, ie, ubr, ibr, ugrp, igrp, umod, imod)
    return out

# --- scband reference (transcript-rebuilt; emitter-appended) ---
"""Pipeline reference for scband-bilinear-net-22565758173185 (READ-ONLY COPY).

The authoritative reference and input builder live on the scoring server;
editing this copy changes nothing except your own understanding.
"""

import jax, jax.numpy as jnp
import numpy as np

NUM_USERS = 1000000
NUM_ITEMS = 1000000
EMBED_DIM = 32
BATCH = 4096

def setup_inputs(seed: int = 0) -> dict:
    key = jax.random.key(seed)
    k1, k2, k3, k4 = jax.random.split(key, 4)
    user_ids = jax.random.randint(k1, (BATCH,), 0, NUM_USERS, dtype=jnp.int64 if jax.config.jax_enable_x64 else jnp.int32)
    item_ids = jax.random.randint(k2, (BATCH,), 0, NUM_ITEMS, dtype=jnp.int64 if jax.config.jax_enable_x64 else jnp.int32)
    # ScaledEmbedding: normal init scaled by 1/embedding_dim
    user_emb = jax.random.normal(k3, (NUM_USERS, EMBED_DIM), dtype=jnp.float32) / EMBED_DIM
    item_emb = jax.random.normal(k4, (NUM_ITEMS, EMBED_DIM), dtype=jnp.float32) / EMBED_DIM
    # ZeroEmbedding: zero init
    user_bias = jnp.zeros((NUM_USERS, 1), dtype=jnp.float32)
    item_bias = jnp.zeros((NUM_ITEMS, 1), dtype=jnp.float32)
    return {"user_ids": user_ids, "item_ids": item_ids,
            "user_emb": user_emb, "item_emb": item_emb,
            "user_bias": user_bias, "item_bias": item_bias}

def reference(user_ids, item_ids, user_emb, item_emb, user_bias, item_bias):
    ue = jnp.take(user_emb, user_ids, axis=0).reshape(-1, EMBED_DIM)
    ie = jnp.take(item_emb, item_ids, axis=0).reshape(-1, EMBED_DIM)
    ub = jnp.take(user_bias, user_ids, axis=0).reshape(-1, 1)
    ib = jnp.take(item_bias, item_ids, axis=0).reshape(-1, 1)
    sigm_in = (ue * ie).sum(1)
    # faithful to the torch code: [B] + [B,1] broadcasts to [B,B]
    return sigm_in + ub + ib

if __name__ == "__main__":
    import jax
    _d = setup_inputs()
    print(jax.jit(kernel)(*tuple(_d.values())))

</pallas_src>

<mosaic_0001>
#map = affine_map<(d0, d1) -> (0, 0)>
#map1 = affine_map<(d0, d1) -> (0)>
module attributes {stable_mosaic.version = 14 : i64} {
  func.func @k(%arg0: i32, %arg1: i32, %arg2: memref<250000x128xf32, #tpu.memory_space<hbm>>, %arg3: memref<250000x128xf32, #tpu.memory_space<hbm>>, %arg4: memref<62500x16xf32, #tpu.memory_space<hbm>>, %arg5: memref<62500x16xf32, #tpu.memory_space<hbm>>, %arg6: memref<4096xi32, #tpu.memory_space<hbm>>, %arg7: memref<4096xi32, #tpu.memory_space<hbm>>, %arg8: memref<4096xi32, #tpu.memory_space<hbm>>, %arg9: memref<4096xi32, #tpu.memory_space<hbm>>, %arg10: memref<4096x128xf32, #tpu.memory_space<hbm>>, %arg11: memref<4096x128xf32, #tpu.memory_space<hbm>>, %arg12: memref<4096x16xf32, #tpu.memory_space<hbm>>, %arg13: memref<4096x16xf32, #tpu.memory_space<hbm>>, %arg14: memref<128xi32, #tpu.memory_space<vmem>>, %arg15: memref<128xi32, #tpu.memory_space<vmem>>, %arg16: memref<128xi32, #tpu.memory_space<vmem>>, %arg17: memref<128xi32, #tpu.memory_space<vmem>>, %arg18: memref<128x128xf32, #tpu.memory_space<vmem>>, %arg19: memref<128x128xf32, #tpu.memory_space<vmem>>, %arg20: memref<128x16xf32, #tpu.memory_space<vmem>>, %arg21: memref<128x16xf32, #tpu.memory_space<vmem>>, %arg22: memref<!tpu.dma_semaphore, #tpu.memory_space<semaphore_mem>>, %arg23: memref<!tpu.dma_semaphore, #tpu.memory_space<semaphore_mem>>, %arg24: memref<!tpu.dma_semaphore, #tpu.memory_space<semaphore_mem>>, %arg25: memref<!tpu.dma_semaphore, #tpu.memory_space<semaphore_mem>>) attributes {dimension_semantics = [#tpu.dimension_semantics<core_parallel>, #tpu.dimension_semantics<subcore_parallel>], iteration_bounds = array<i64: 2, 16>, scalar_prefetch = 0 : i64, scratch_operands = 12 : i64, tpu.core_type = #tpu.core_type<sc_vector_subcore>, window_params = [{transform_indices = #map}, {transform_indices = #map}, {transform_indices = #map}, {transform_indices = #map}, {transform_indices = #map1}, {transform_indices = #map1}, {transform_indices = #map1}, {transform_indices = #map1}, {transform_indices = #map}, {transform_indices = #map}, {transform_indices = #map}, {transform_indices = #map}]} {
    %mul3A = arith.constant 2 : i32
    %mul3A_0 = arith.muli %arg1, %mul3A : i32
    %add3A = arith.addi %mul3A_0, %arg0 : i32
    %mul3A_1 = arith.constant 128 : i32
    %mul3A_2 = arith.muli %add3A, %mul3A_1 : i32
    "tpu.region"() ({
      %run_scoped3A = tpu.sem_alloc : memref<!tpu.dma_semaphore, #tpu.memory_space<semaphore_mem>>
      %dma_start3A_25 = tpu.memref_slice %arg6[%mul3A_2] : memref<4096xi32, #tpu.memory_space<hbm>> -> memref<128xi32, #tpu.memory_space<hbm>>
      %dma_start3A_26 = tpu.memref_slice %arg6[%mul3A_2] : memref<4096xi32, #tpu.memory_space<hbm>> -> memref<128xi32, #tpu.memory_space<hbm>>
      tpu.enqueue_dma source(%dma_start3A_26 : memref<128xi32, #tpu.memory_space<hbm>>) target(%arg14 : memref<128xi32, #tpu.memory_space<vmem>>) target_semaphore(%run_scoped3A : memref<!tpu.dma_semaphore, #tpu.memory_space<semaphore_mem>>)
      %dma_wait3A_27 = tpu.memref_slice %arg6[%mul3A_2] : memref<4096xi32, #tpu.memory_space<hbm>> -> memref<128xi32, #tpu.memory_space<hbm>>
      %dma_wait3A_28 = tpu.memref_slice %arg6[%mul3A_2] : memref<4096xi32, #tpu.memory_space<hbm>> -> memref<128xi32, #tpu.memory_space<hbm>>
      tpu.wait_dma2 semaphore(%run_scoped3A : memref<!tpu.dma_semaphore, #tpu.memory_space<semaphore_mem>>) src(%dma_wait3A_28 : memref<128xi32, #tpu.memory_space<hbm>>) dst(%arg14 : memref<128xi32, #tpu.memory_space<vmem>>)
      tpu.yield
    }) : () -> ()
    "tpu.region"() ({
      %run_scoped3A = tpu.sem_alloc : memref<!tpu.dma_semaphore, #tpu.memory_space<semaphore_mem>>
      %dma_start3A_25 = tpu.memref_slice %arg7[%mul3A_2] : memref<4096xi32, #tpu.memory_space<hbm>> -> memref<128xi32, #tpu.memory_space<hbm>>
      %dma_start3A_26 = tpu.memref_slice %arg7[%mul3A_2] : memref<4096xi32, #tpu.memory_space<hbm>> -> memref<128xi32, #tpu.memory_space<hbm>>
      tpu.enqueue_dma source(%dma_start3A_26 : memref<128xi32, #tpu.memory_space<hbm>>) target(%arg15 : memref<128xi32, #tpu.memory_space<vmem>>) target_semaphore(%run_scoped3A : memref<!tpu.dma_semaphore, #tpu.memory_space<semaphore_mem>>)
      %dma_wait3A_27 = tpu.memref_slice %arg7[%mul3A_2] : memref<4096xi32, #tpu.memory_space<hbm>> -> memref<128xi32, #tpu.memory_space<hbm>>
      %dma_wait3A_28 = tpu.memref_slice %arg7[%mul3A_2] : memref<4096xi32, #tpu.memory_space<hbm>> -> memref<128xi32, #tpu.memory_space<hbm>>
      tpu.wait_dma2 semaphore(%run_scoped3A : memref<!tpu.dma_semaphore, #tpu.memory_space<semaphore_mem>>) src(%dma_wait3A_28 : memref<128xi32, #tpu.memory_space<hbm>>) dst(%arg15 : memref<128xi32, #tpu.memory_space<vmem>>)
      tpu.yield
    }) : () -> ()
    "tpu.region"() ({
      %run_scoped3A = tpu.sem_alloc : memref<!tpu.dma_semaphore, #tpu.memory_space<semaphore_mem>>
      %dma_start3A_25 = tpu.memref_slice %arg8[%mul3A_2] : memref<4096xi32, #tpu.memory_space<hbm>> -> memref<128xi32, #tpu.memory_space<hbm>>
      %dma_start3A_26 = tpu.memref_slice %arg8[%mul3A_2] : memref<4096xi32, #tpu.memory_space<hbm>> -> memref<128xi32, #tpu.memory_space<hbm>>
      tpu.enqueue_dma source(%dma_start3A_26 : memref<128xi32, #tpu.memory_space<hbm>>) target(%arg16 : memref<128xi32, #tpu.memory_space<vmem>>) target_semaphore(%run_scoped3A : memref<!tpu.dma_semaphore, #tpu.memory_space<semaphore_mem>>)
      %dma_wait3A_27 = tpu.memref_slice %arg8[%mul3A_2] : memref<4096xi32, #tpu.memory_space<hbm>> -> memref<128xi32, #tpu.memory_space<hbm>>
      %dma_wait3A_28 = tpu.memref_slice %arg8[%mul3A_2] : memref<4096xi32, #tpu.memory_space<hbm>> -> memref<128xi32, #tpu.memory_space<hbm>>
      tpu.wait_dma2 semaphore(%run_scoped3A : memref<!tpu.dma_semaphore, #tpu.memory_space<semaphore_mem>>) src(%dma_wait3A_28 : memref<128xi32, #tpu.memory_space<hbm>>) dst(%arg16 : memref<128xi32, #tpu.memory_space<vmem>>)
      tpu.yield
    }) : () -> ()
    "tpu.region"() ({
      %run_scoped3A = tpu.sem_alloc : memref<!tpu.dma_semaphore, #tpu.memory_space<semaphore_mem>>
      %dma_start3A_25 = tpu.memref_slice %arg9[%mul3A_2] : memref<4096xi32, #tpu.memory_space<hbm>> -> memref<128xi32, #tpu.memory_space<hbm>>
      %dma_start3A_26 = tpu.memref_slice %arg9[%mul3A_2] : memref<4096xi32, #tpu.memory_space<hbm>> -> memref<128xi32, #tpu.memory_space<hbm>>
      tpu.enqueue_dma source(%dma_start3A_26 : memref<128xi32, #tpu.memory_space<hbm>>) target(%arg17 : memref<128xi32, #tpu.memory_space<vmem>>) target_semaphore(%run_scoped3A : memref<!tpu.dma_semaphore, #tpu.memory_space<semaphore_mem>>)
      %dma_wait3A_27 = tpu.memref_slice %arg9[%mul3A_2] : memref<4096xi32, #tpu.memory_space<hbm>> -> memref<128xi32, #tpu.memory_space<hbm>>
      %dma_wait3A_28 = tpu.memref_slice %arg9[%mul3A_2] : memref<4096xi32, #tpu.memory_space<hbm>> -> memref<128xi32, #tpu.memory_space<hbm>>
      tpu.wait_dma2 semaphore(%run_scoped3A : memref<!tpu.dma_semaphore, #tpu.memory_space<semaphore_mem>>) src(%dma_wait3A_28 : memref<128xi32, #tpu.memory_space<hbm>>) dst(%arg17 : memref<128xi32, #tpu.memory_space<vmem>>)
      tpu.yield
    }) : () -> ()
    %dma_start3A = arith.constant 0 : i32
    %dma_start3A_3 = arith.constant 0 : i32
    %dma_start3A_4 = tpu.memref_slice %arg2[%dma_start3A, %dma_start3A_3] : memref<250000x128xf32, #tpu.memory_space<hbm>> -> memref<250000x128xf32, #tpu.memory_space<hbm>>
    tpu.enqueue_indirect_dma source(%dma_start3A_4 : memref<250000x128xf32, #tpu.memory_space<hbm>>) target(%arg18 : memref<128x128xf32, #tpu.memory_space<vmem>>) offsets(%arg14 : memref<128xi32, #tpu.memory_space<vmem>>) semaphore(%arg22 : memref<!tpu.dma_semaphore, #tpu.memory_space<semaphore_mem>>)
    %dma_start3A_5 = arith.constant 0 : i32
    %dma_start3A_6 = arith.constant 0 : i32
    %dma_start3A_7 = tpu.memref_slice %arg3[%dma_start3A_5, %dma_start3A_6] : memref<250000x128xf32, #tpu.memory_space<hbm>> -> memref<250000x128xf32, #tpu.memory_space<hbm>>
    tpu.enqueue_indirect_dma source(%dma_start3A_7 : memref<250000x128xf32, #tpu.memory_space<hbm>>) target(%arg19 : memref<128x128xf32, #tpu.memory_space<vmem>>) offsets(%arg15 : memref<128xi32, #tpu.memory_space<vmem>>) semaphore(%arg23 : memref<!tpu.dma_semaphore, #tpu.memory_space<semaphore_mem>>)
    %dma_start3A_8 = arith.constant 0 : i32
    %dma_start3A_9 = arith.constant 0 : i32
    %dma_start3A_10 = tpu.memref_slice %arg4[%dma_start3A_8, %dma_start3A_9] : memref<62500x16xf32, #tpu.memory_space<hbm>> -> memref<62500x16xf32, #tpu.memory_space<hbm>>
    tpu.enqueue_indirect_dma source(%dma_start3A_10 : memref<62500x16xf32, #tpu.memory_space<hbm>>) target(%arg20 : memref<128x16xf32, #tpu.memory_space<vmem>>) offsets(%arg16 : memref<128xi32, #tpu.memory_space<vmem>>) semaphore(%arg24 : memref<!tpu.dma_semaphore, #tpu.memory_space<semaphore_mem>>)
    %dma_start3A_11 = arith.constant 0 : i32
    %dma_start3A_12 = arith.constant 0 : i32
    %dma_start3A_13 = tpu.memref_slice %arg5[%dma_start3A_11, %dma_start3A_12] : memref<62500x16xf32, #tpu.memory_space<hbm>> -> memref<62500x16xf32, #tpu.memory_space<hbm>>
    tpu.enqueue_indirect_dma source(%dma_start3A_13 : memref<62500x16xf32, #tpu.memory_space<hbm>>) target(%arg21 : memref<128x16xf32, #tpu.memory_space<vmem>>) offsets(%arg17 : memref<128xi32, #tpu.memory_space<vmem>>) semaphore(%arg25 : memref<!tpu.dma_semaphore, #tpu.memory_space<semaphore_mem>>)
    %dma_wait3A = arith.constant 0 : i32
    %dma_wait3A_14 = arith.constant 0 : i32
    %dma_wait3A_15 = tpu.memref_slice %arg2[%dma_wait3A, %dma_wait3A_14] : memref<250000x128xf32, #tpu.memory_space<hbm>> -> memref<250000x128xf32, #tpu.memory_space<hbm>>
    tpu.wait_indirect_dma semaphore(%arg22 : memref<!tpu.dma_semaphore, #tpu.memory_space<semaphore_mem>>) src(%dma_wait3A_15 : memref<250000x128xf32, #tpu.memory_space<hbm>>) dst(%arg18 : memref<128x128xf32, #tpu.memory_space<vmem>>)
    %dma_wait3A_16 = arith.constant 0 : i32
    %dma_wait3A_17 = arith.constant 0 : i32
    %dma_wait3A_18 = tpu.memref_slice %arg3[%dma_wait3A_16, %dma_wait3A_17] : memref<250000x128xf32, #tpu.memory_space<hbm>> -> memref<250000x128xf32, #tpu.memory_space<hbm>>
    tpu.wait_indirect_dma semaphore(%arg23 : memref<!tpu.dma_semaphore, #tpu.memory_space<semaphore_mem>>) src(%dma_wait3A_18 : memref<250000x128xf32, #tpu.memory_space<hbm>>) dst(%arg19 : memref<128x128xf32, #tpu.memory_space<vmem>>)
    %dma_wait3A_19 = arith.constant 0 : i32
    %dma_wait3A_20 = arith.constant 0 : i32
    %dma_wait3A_21 = tpu.memref_slice %arg4[%dma_wait3A_19, %dma_wait3A_20] : memref<62500x16xf32, #tpu.memory_space<hbm>> -> memref<62500x16xf32, #tpu.memory_space<hbm>>
    tpu.wait_indirect_dma semaphore(%arg24 : memref<!tpu.dma_semaphore, #tpu.memory_space<semaphore_mem>>) src(%dma_wait3A_21 : memref<62500x16xf32, #tpu.memory_space<hbm>>) dst(%arg20 : memref<128x16xf32, #tpu.memory_space<vmem>>)
    %dma_wait3A_22 = arith.constant 0 : i32
    %dma_wait3A_23 = arith.constant 0 : i32
    %dma_wait3A_24 = tpu.memref_slice %arg5[%dma_wait3A_22, %dma_wait3A_23] : memref<62500x16xf32, #tpu.memory_space<hbm>> -> memref<62500x16xf32, #tpu.memory_space<hbm>>
    tpu.wait_indirect_dma semaphore(%arg25 : memref<!tpu.dma_semaphore, #tpu.memory_space<semaphore_mem>>) src(%dma_wait3A_24 : memref<62500x16xf32, #tpu.memory_space<hbm>>) dst(%arg21 : memref<128x16xf32, #tpu.memory_space<vmem>>)
    "tpu.region"() ({
      %run_scoped3A = tpu.sem_alloc : memref<!tpu.dma_semaphore, #tpu.memory_space<semaphore_mem>>
      %dma_start3A_25 = arith.constant 0 : i32
      %dma_start3A_26 = tpu.memref_slice %arg10[%mul3A_2, %dma_start3A_25] : memref<4096x128xf32, #tpu.memory_space<hbm>> -> memref<128x128xf32, #tpu.memory_space<hbm>>
      %dma_start3A_27 = arith.constant 0 : i32
      %dma_start3A_28 = tpu.memref_slice %arg10[%mul3A_2, %dma_start3A_27] : memref<4096x128xf32, #tpu.memory_space<hbm>> -> memref<128x128xf32, #tpu.memory_space<hbm>>
      tpu.enqueue_dma source(%arg18 : memref<128x128xf32, #tpu.memory_space<vmem>>) target(%dma_start3A_28 : memref<128x128xf32, #tpu.memory_space<hbm>>) target_semaphore(%run_scoped3A : memref<!tpu.dma_semaphore, #tpu.memory_space<semaphore_mem>>)
      %dma_wait3A_29 = arith.constant 0 : i32
      %dma_wait3A_30 = tpu.memref_slice %arg10[%mul3A_2, %dma_wait3A_29] : memref<4096x128xf32, #tpu.memory_space<hbm>> -> memref<128x128xf32, #tpu.memory_space<hbm>>
      %dma_wait3A_31 = arith.constant 0 : i32
      %dma_wait3A_32 = tpu.memref_slice %arg10[%mul3A_2, %dma_wait3A_31] : memref<4096x128xf32, #tpu.memory_space<hbm>> -> memref<128x128xf32, #tpu.memory_space<hbm>>
      tpu.wait_dma2 semaphore(%run_scoped3A : memref<!tpu.dma_semaphore, #tpu.memory_space<semaphore_mem>>) src(%arg18 : memref<128x128xf32, #tpu.memory_space<vmem>>) dst(%dma_wait3A_32 : memref<128x128xf32, #tpu.memory_space<hbm>>)
      tpu.yield
    }) : () -> ()
    "tpu.region"() ({
      %run_scoped3A = tpu.sem_alloc : memref<!tpu.dma_semaphore, #tpu.memory_space<semaphore_mem>>
      %dma_start3A_25 = arith.constant 0 : i32
      %dma_start3A_26 = tpu.memref_slice %arg11[%mul3A_2, %dma_start3A_25] : memref<4096x128xf32, #tpu.memory_space<hbm>> -> memref<128x128xf32, #tpu.memory_space<hbm>>
      %dma_start3A_27 = arith.constant 0 : i32
      %dma_start3A_28 = tpu.memref_slice %arg11[%mul3A_2, %dma_start3A_27] : memref<4096x128xf32, #tpu.memory_space<hbm>> -> memref<128x128xf32, #tpu.memory_space<hbm>>
      tpu.enqueue_dma source(%arg19 : memref<128x128xf32, #tpu.memory_space<vmem>>) target(%dma_start3A_28 : memref<128x128xf32, #tpu.memory_space<hbm>>) target_semaphore(%run_scoped3A : memref<!tpu.dma_semaphore, #tpu.memory_space<semaphore_mem>>)
      %dma_wait3A_29 = arith.constant 0 : i32
      %dma_wait3A_30 = tpu.memref_slice %arg11[%mul3A_2, %dma_wait3A_29] : memref<4096x128xf32, #tpu.memory_space<hbm>> -> memref<128x128xf32, #tpu.memory_space<hbm>>
      %dma_wait3A_31 = arith.constant 0 : i32
      %dma_wait3A_32 = tpu.memref_slice %arg11[%mul3A_2, %dma_wait3A_31] : memref<4096x128xf32, #tpu.memory_space<hbm>> -> memref<128x128xf32, #tpu.memory_space<hbm>>
      tpu.wait_dma2 semaphore(%run_scoped3A : memref<!tpu.dma_semaphore, #tpu.memory_space<semaphore_mem>>) src(%arg19 : memref<128x128xf32, #tpu.memory_space<vmem>>) dst(%dma_wait3A_32 : memref<128x128xf32, #tpu.memory_space<hbm>>)
      tpu.yield
    }) : () -> ()
    "tpu.region"() ({
      %run_scoped3A = tpu.sem_alloc : memref<!tpu.dma_semaphore, #tpu.memory_space<semaphore_mem>>
      %dma_start3A_25 = arith.constant 0 : i32
      %dma_start3A_26 = tpu.memref_slice %arg12[%mul3A_2, %dma_start3A_25] : memref<4096x16xf32, #tpu.memory_space<hbm>> -> memref<128x16xf32, #tpu.memory_space<hbm>>
      %dma_start3A_27 = arith.constant 0 : i32
      %dma_start3A_28 = tpu.memref_slice %arg12[%mul3A_2, %dma_start3A_27] : memref<4096x16xf32, #tpu.memory_space<hbm>> -> memref<128x16xf32, #tpu.memory_space<hbm>>
      tpu.enqueue_dma source(%arg20 : memref<128x16xf32, #tpu.memory_space<vmem>>) target(%dma_start3A_28 : memref<128x16xf32, #tpu.memory_space<hbm>>) target_semaphore(%run_scoped3A : memref<!tpu.dma_semaphore, #tpu.memory_space<semaphore_mem>>)
      %dma_wait3A_29 = arith.constant 0 : i32
      %dma_wait3A_30 = tpu.memref_slice %arg12[%mul3A_2, %dma_wait3A_29] : memref<4096x16xf32, #tpu.memory_space<hbm>> -> memref<128x16xf32, #tpu.memory_space<hbm>>
      %dma_wait3A_31 = arith.constant 0 : i32
      %dma_wait3A_32 = tpu.memref_slice %arg12[%mul3A_2, %dma_wait3A_31] : memref<4096x16xf32, #tpu.memory_space<hbm>> -> memref<128x16xf32, #tpu.memory_space<hbm>>
      tpu.wait_dma2 semaphore(%run_scoped3A : memref<!tpu.dma_semaphore, #tpu.memory_space<semaphore_mem>>) src(%arg20 : memref<128x16xf32, #tpu.memory_space<vmem>>) dst(%dma_wait3A_32 : memref<128x16xf32, #tpu.memory_space<hbm>>)
      tpu.yield
    }) : () -> ()
    "tpu.region"() ({
      %run_scoped3A = tpu.sem_alloc : memref<!tpu.dma_semaphore, #tpu.memory_space<semaphore_mem>>
      %dma_start3A_25 = arith.constant 0 : i32
      %dma_start3A_26 = tpu.memref_slice %arg13[%mul3A_2, %dma_start3A_25] : memref<4096x16xf32, #tpu.memory_space<hbm>> -> memref<128x16xf32, #tpu.memory_space<hbm>>
      %dma_start3A_27 = arith.constant 0 : i32
      %dma_start3A_28 = tpu.memref_slice %arg13[%mul3A_2, %dma_start3A_27] : memref<4096x16xf32, #tpu.memory_space<hbm>> -> memref<128x16xf32, #tpu.memory_space<hbm>>
      tpu.enqueue_dma source(%arg21 : memref<128x16xf32, #tpu.memory_space<vmem>>) target(%dma_start3A_28 : memref<128x16xf32, #tpu.memory_space<hbm>>) target_semaphore(%run_scoped3A : memref<!tpu.dma_semaphore, #tpu.memory_space<semaphore_mem>>)
      %dma_wait3A_29 = arith.constant 0 : i32
      %dma_wait3A_30 = tpu.memref_slice %arg13[%mul3A_2, %dma_wait3A_29] : memref<4096x16xf32, #tpu.memory_space<hbm>> -> memref<128x16xf32, #tpu.memory_space<hbm>>
      %dma_wait3A_31 = arith.constant 0 : i32
      %dma_wait3A_32 = tpu.memref_slice %arg13[%mul3A_2, %dma_wait3A_31] : memref<4096x16xf32, #tpu.memory_space<hbm>> -> memref<128x16xf32, #tpu.memory_space<hbm>>
      tpu.wait_dma2 semaphore(%run_scoped3A : memref<!tpu.dma_semaphore, #tpu.memory_space<semaphore_mem>>) src(%arg21 : memref<128x16xf32, #tpu.memory_space<vmem>>) dst(%dma_wait3A_32 : memref<128x16xf32, #tpu.memory_space<hbm>>)
      tpu.yield
    }) : () -> ()
    return
  }
}

module attributes {stable_mosaic.version = 14 : i64} {
  func.func @_tc_body(%arg0: i32, %arg1: memref<4096x128xf32, #tpu.memory_space<vmem>>, %arg2: memref<4096x128xf32, #tpu.memory_space<vmem>>, %arg3: memref<256x16xf32, #tpu.memory_space<vmem>>, %arg4: memref<256x16xf32, #tpu.memory_space<vmem>>, %arg5: memref<4096x1xi32, #tpu.memory_space<vmem>>, %arg6: memref<4096x1xi32, #tpu.memory_space<vmem>>, %arg7: memref<256x1xi32, #tpu.memory_space<vmem>>, %arg8: memref<256x1xi32, #tpu.memory_space<vmem>>, %arg9: memref<256x4096xf32, #tpu.memory_space<vmem>>, %arg10: memref<1x4096xf32, #tpu.memory_space<vmem>>) attributes {dimension_semantics = [#tpu.dimension_semantics<arbitrary>], iteration_bounds = array<i64: 16>, scalar_prefetch = 0 : i64, scratch_operands = 1 : i64, tpu.core_type = #tpu.core_type<tc>, window_params = [{pipeline_mode = #tpu.pipeline_mode<synchronous>, transform_indices = @transform_0, window_bounds = array<i64: 4096, 128>}, {pipeline_mode = #tpu.pipeline_mode<synchronous>, transform_indices = @transform_1, window_bounds = array<i64: 4096, 128>}, {transform_indices = @transform_2, window_bounds = array<i64: 256, 16>}, {transform_indices = @transform_3, window_bounds = array<i64: 256, 16>}, {pipeline_mode = #tpu.pipeline_mode<synchronous>, transform_indices = @transform_4, window_bounds = array<i64: 4096, 1>}, {pipeline_mode = #tpu.pipeline_mode<synchronous>, transform_indices = @transform_5, window_bounds = array<i64: 4096, 1>}, {transform_indices = @transform_6, window_bounds = array<i64: 256, 1>}, {transform_indices = @transform_7, window_bounds = array<i64: 256, 1>}, {transform_indices = @transform_8, window_bounds = array<i64: 256, 4096>}]} {
    %eq3A = arith.constant 0 : i32
    %eq3A_0 = arith.cmpi eq, %arg0, %eq3A : i32
    %convert_element_type3A = arith.extui %eq3A_0 : i1 to i32
    %cond3A = arith.constant 0 : i32
    %cond3A_1 = arith.cmpi ne, %convert_element_type3A, %cond3A : i32
    scf.if %cond3A_1 {
      %get3A_33 = arith.constant 0 : index
      %get3A_34 = arith.constant 0 : index
      %get3A_35 = vector.load %arg1[%get3A_33, %get3A_34] : memref<4096x128xf32, #tpu.memory_space<vmem>>, vector<4096x128xf32>
      %get3A_36 = arith.constant 0 : index
      %get3A_37 = arith.constant 0 : index
      %get3A_38 = vector.load %arg2[%get3A_36, %get3A_37] : memref<4096x128xf32, #tpu.memory_space<vmem>>, vector<4096x128xf32>
      %get3A_39 = arith.constant 0 : index
      %get3A_40 = arith.constant 0 : index
      %get3A_41 = vector.load %arg5[%get3A_39, %get3A_40] : memref<4096x1xi32, #tpu.memory_space<vmem>>, vector<4096x1xi32>
      %get3A_42 = arith.constant 0 : index
      %get3A_43 = arith.constant 0 : index
      %get3A_44 = vector.load %arg6[%get3A_42, %get3A_43] : memref<4096x1xi32, #tpu.memory_space<vmem>>, vector<4096x1xi32>
      %broadcast_in_dim3A_45 = arith.constant 0.000000e+00 : f32
      %broadcast_in_dim3A_46 = vector.broadcast %broadcast_in_dim3A_45 : f32 to vector<4096xf32>
      %slice3A = vector.extract_strided_slice %get3A_35 {offsets = [0, 0], sizes = [4096, 32], strides = [1, 1]} : vector<4096x128xf32> to vector<4096x32xf32>
      %slice3A_47 = vector.extract_strided_slice %get3A_38 {offsets = [0, 0], sizes = [4096, 32], strides = [1, 1]} : vector<4096x128xf32> to vector<4096x32xf32>
      %mul3A = arith.mulf %slice3A, %slice3A_47 : vector<4096x32xf32>
      %reduce_sum3A_48 = arith.constant dense<0.000000e+00> : vector<4096xf32>
      %reduce_sum3A_49 = vector.multi_reduction <add>, %mul3A, %reduce_sum3A_48 [1] : vector<4096x32xf32> to vector<4096xf32>
      %squeeze3A = vector.shape_cast %get3A_41 : vector<4096x1xi32> to vector<4096xi32>
      %eq3A_50 = arith.constant 0 : i32
      %eq3A_51 = vector.broadcast %eq3A_50 : i32 to vector<4096xi32>
      %eq3A_52 = arith.cmpi eq, %squeeze3A, %eq3A_51 : vector<4096xi32>
      %squeeze3A_53 = vector.shape_cast %get3A_44 : vector<4096x1xi32> to vector<4096xi32>
      %eq3A_54 = arith.constant 0 : i32
      %eq3A_55 = vector.broadcast %eq3A_54 : i32 to vector<4096xi32>
      %eq3A_56 = arith.cmpi eq, %squeeze3A_53, %eq3A_55 : vector<4096xi32>
      %and3A = arith.andi %eq3A_52, %eq3A_56 : vector<4096xi1>
      %jit3A_57 = arith.constant 0.000000e+00 : f32
      %broadcast_in_dim3A_58 = vector.broadcast %jit3A_57 : f32 to vector<4096xf32>
      %select_n3A_59 = arith.select %and3A, %reduce_sum3A_49, %broadcast_in_dim3A_58 : vector<4096xi1>, vector<4096xf32>
      %add3A_60 = arith.addf %broadcast_in_dim3A_46, %select_n3A_59 : vector<4096xf32>
      %slice3A_61 = vector.extract_strided_slice %get3A_38 {offsets = [0, 32], sizes = [4096, 32], strides = [1, 1]} : vector<4096x128xf32> to vector<4096x32xf32>
      %mul3A_62 = arith.mulf %slice3A, %slice3A_61 : vector<4096x32xf32>
      %reduce_sum3A_63 = arith.constant dense<0.000000e+00> : vector<4096xf32>
      %reduce_sum3A_64 = vector.multi_reduction <add>, %mul3A_62, %reduce_sum3A_63 [1] : vector<4096x32xf32> to vector<4096xf32>
      %squeeze3A_65 = vector.shape_cast %get3A_41 : vector<4096x1xi32> to vector<4096xi32>
      %eq3A_66 = arith.constant 0 : i32
      %eq3A_67 = vector.broadcast %eq3A_66 : i32 to vector<4096xi32>
      %eq3A_68 = arith.cmpi eq, %squeeze3A_65, %eq3A_67 : vector<4096xi32>
      %squeeze3A_69 = vector.shape_cast %get3A_44 : vector<4096x1xi32> to vector<4096xi32>
      %eq3A_70 = arith.constant 1 : i32
      %eq3A_71 = vector.broadcast %eq3A_70 : i32 to vector<4096xi32>
      %eq3A_72 = arith.cmpi eq, %squeeze3A_69, %eq3A_71 : vector<4096xi32>
      %and3A_73 = arith.andi %eq3A_68, %eq3A_72 : vector<4096xi1>
      %jit3A_74 = arith.constant 0.000000e+00 : f32
      %broadcast_in_dim3A_75 = vector.broadcast %jit3A_74 : f32 to vector<4096xf32>
      %select_n3A_76 = arith.select %and3A_73, %reduce_sum3A_64, %broadcast_in_dim3A_75 : vector<4096xi1>, vector<4096xf32>
      %add3A_77 = arith.addf %add3A_60, %select_n3A_76 : vector<4096xf32>
      %slice3A_78 = vector.extract_strided_slice %get3A_38 {offsets = [0, 64], sizes = [4096, 32], strides = [1, 1]} : vector<4096x128xf32> to vector<4096x32xf32>
      %mul3A_79 = arith.mulf %slice3A, %slice3A_78 : vector<4096x32xf32>
      %reduce_sum3A_80 = arith.constant dense<0.000000e+00> : vector<4096xf32>
      %reduce_sum3A_81 = vector.multi_reduction <add>, %mul3A_79, %reduce_sum3A_80 [1] : vector<4096x32xf32> to vector<4096xf32>
      %squeeze3A_82 = vector.shape_cast %get3A_41 : vector<4096x1xi32> to vector<4096xi32>
      %eq3A_83 = arith.constant 0 : i32
      %eq3A_84 = vector.broadcast %eq3A_83 : i32 to vector<4096xi32>
      %eq3A_85 = arith.cmpi eq, %squeeze3A_82, %eq3A_84 : vector<4096xi32>
      %squeeze3A_86 = vector.shape_cast %get3A_44 : vector<4096x1xi32> to vector<4096xi32>
      %eq3A_87 = arith.constant 2 : i32
      %eq3A_88 = vector.broadcast %eq3A_87 : i32 to vector<4096xi32>
      %eq3A_89 = arith.cmpi eq, %squeeze3A_86, %eq3A_88 : vector<4096xi32>
      %and3A_90 = arith.andi %eq3A_85, %eq3A_89 : vector<4096xi1>
      %jit3A_91 = arith.constant 0.000000e+00 : f32
      %broadcast_in_dim3A_92 = vector.broadcast %jit3A_91 : f32 to vector<4096xf32>
      %select_n3A_93 = arith.select %and3A_90, %reduce_sum3A_81, %broadcast_in_dim3A_92 : vector<4096xi1>, vector<4096xf32>
      %add3A_94 = arith.addf %add3A_77, %select_n3A_93 : vector<4096xf32>
      %slice3A_95 = vector.extract_strided_slice %get3A_38 {offsets = [0, 96], sizes = [4096, 32], strides = [1, 1]} : vector<4096x128xf32> to vector<4096x32xf32>
      %mul3A_96 = arith.mulf %slice3A, %slice3A_95 : vector<4096x32xf32>
      %reduce_sum3A_97 = arith.constant dense<0.000000e+00> : vector<4096xf32>
      %reduce_sum3A_98 = vector.multi_reduction <add>, %mul3A_96, %reduce_sum3A_97 [1] : vector<4096x32xf32> to vector<4096xf32>
      %squeeze3A_99 = vector.shape_cast %get3A_41 : vector<4096x1xi32> to vector<4096xi32>
      %eq3A_100 = arith.constant 0 : i32
      %eq3A_101 = vector.broadcast %eq3A_100 : i32 to vector<4096xi32>
      %eq3A_102 = arith.cmpi eq, %squeeze3A_99, %eq3A_101 : vector<4096xi32>
      %squeeze3A_103 = vector.shape_cast %get3A_44 : vector<4096x1xi32> to vector<4096xi32>
      %eq3A_104 = arith.constant 3 : i32
      %eq3A_105 = vector.broadcast %eq3A_104 : i32 to vector<4096xi32>
      %eq3A_106 = arith.cmpi eq, %squeeze3A_103, %eq3A_105 : vector<4096xi32>
      %and3A_107 = arith.andi %eq3A_102, %eq3A_106 : vector<4096xi1>
      %jit3A_108 = arith.constant 0.000000e+00 : f32
      %broadcast_in_dim3A_109 = vector.broadcast %jit3A_108 : f32 to vector<4096xf32>
      %select_n3A_110 = arith.select %and3A_107, %reduce_sum3A_98, %broadcast_in_dim3A_109 : vector<4096xi1>, vector<4096xf32>
      %add3A_111 = arith.addf %add3A_94, %select_n3A_110 : vector<4096xf32>
      %slice3A_112 = vector.extract_strided_slice %get3A_35 {offsets = [0, 32], sizes = [4096, 32], strides = [1, 1]} : vector<4096x128xf32> to vector<4096x32xf32>
      %slice3A_113 = vector.extract_strided_slice %get3A_38 {offsets = [0, 0], sizes = [4096, 32], strides = [1, 1]} : vector<4096x128xf32> to vector<4096x32xf32>
      %mul3A_114 = arith.mulf %slice3A_112, %slice3A_113 : vector<4096x32xf32>
      %reduce_sum3A_115 = arith.constant dense<0.000000e+00> : vector<4096xf32>
      %reduce_sum3A_116 = vector.multi_reduction <add>, %mul3A_114, %reduce_sum3A_115 [1] : vector<4096x32xf32> to vector<4096xf32>
      %squeeze3A_117 = vector.shape_cast %get3A_41 : vector<4096x1xi32> to vector<4096xi32>
      %eq3A_118 = arith.constant 1 : i32
      %eq3A_119 = vector.broadcast %eq3A_118 : i32 to vector<4096xi32>
      %eq3A_120 = arith.cmpi eq, %squeeze3A_117, %eq3A_119 : vector<4096xi32>
      %squeeze3A_121 = vector.shape_cast %get3A_44 : vector<4096x1xi32> to vector<4096xi32>
      %eq3A_122 = arith.constant 0 : i32
      %eq3A_123 = vector.broadcast %eq3A_122 : i32 to vector<4096xi32>
      %eq3A_124 = arith.cmpi eq, %squeeze3A_121, %eq3A_123 : vector<4096xi32>
      %and3A_125 = arith.andi %eq3A_120, %eq3A_124 : vector<4096xi1>
      %jit3A_126 = arith.constant 0.000000e+00 : f32
      %broadcast_in_dim3A_127 = vector.broadcast %jit3A_126 : f32 to vector<4096xf32>
      %select_n3A_128 = arith.select %and3A_125, %reduce_sum3A_116, %broadcast_in_dim3A_127 : vector<4096xi1>, vector<4096xf32>
      %add3A_129 = arith.addf %add3A_111, %select_n3A_128 : vector<4096xf32>
      %slice3A_130 = vector.extract_strided_slice %get3A_38 {offsets = [0, 32], sizes = [4096, 32], strides = [1, 1]} : vector<4096x128xf32> to vector<4096x32xf32>
      %mul3A_131 = arith.mulf %slice3A_112, %slice3A_130 : vector<4096x32xf32>
      %reduce_sum3A_132 = arith.constant dense<0.000000e+00> : vector<4096xf32>
      %reduce_sum3A_133 = vector.multi_reduction <add>, %mul3A_131, %reduce_sum3A_132 [1] : vector<4096x32xf32> to vector<4096xf32>
      %squeeze3A_134 = vector.shape_cast %get3A_41 : vector<4096x1xi32> to vector<4096xi32>
      %eq3A_135 = arith.constant 1 : i32
      %eq3A_136 = vector.broadcast %eq3A_135 : i32 to vector<4096xi32>
      %eq3A_137 = arith.cmpi eq, %squeeze3A_134, %eq3A_136 : vector<4096xi32>
      %squeeze3A_138 = vector.shape_cast %get3A_44 : vector<4096x1xi32> to vector<4096xi32>
      %eq3A_139 = arith.constant 1 : i32
      %eq3A_140 = vector.broadcast %eq3A_139 : i32 to vector<4096xi32>
      %eq3A_141 = arith.cmpi eq, %squeeze3A_138, %eq3A_140 : vector<4096xi32>
      %and3A_142 = arith.andi %eq3A_137, %eq3A_141 : vector<4096xi1>
      %jit3A_143 = arith.constant 0.000000e+00 : f32
      %broadcast_in_dim3A_144 = vector.broadcast %jit3A_143 : f32 to vector<4096xf32>
      %select_n3A_145 = arith.select %and3A_142, %reduce_sum3A_133, %broadcast_in_dim3A_144 : vector<4096xi1>, vector<4096xf32>
      %add3A_146 = arith.addf %add3A_129, %select_n3A_145 : vector<4096xf32>
      %slice3A_147 = vector.extract_strided_slice %get3A_38 {offsets = [0, 64], sizes = [4096, 32], strides = [1, 1]} : vector<4096x128xf32> to vector<4096x32xf32>
      %mul3A_148 = arith.mulf %slice3A_112, %slice3A_147 : vector<4096x32xf32>
      %reduce_sum3A_149 = arith.constant dense<0.000000e+00> : vector<4096xf32>
      %reduce_sum3A_150 = vector.multi_reduction <add>, %mul3A_148, %reduce_sum3A_149 [1] : vector<4096x32xf32> to vector<4096xf32>
      %squeeze3A_151 = vector.shape_cast %get3A_41 : vector<4096x1xi32> to vector<4096xi32>
      %eq3A_152 = arith.constant 1 : i32
      %eq3A_153 = vector.broadcast %eq3A_152 : i32 to vector<4096xi32>
      %eq3A_154 = arith.cmpi eq, %squeeze3A_151, %eq3A_153 : vector<4096xi32>
      %squeeze3A_155 = vector.shape_cast %get3A_44 : vector<4096x1xi32> to vector<4096xi32>
      %eq3A_156 = arith.constant 2 : i32
      %eq3A_157 = vector.broadcast %eq3A_156 : i32 to vector<4096xi32>
      %eq3A_158 = arith.cmpi eq, %squeeze3A_155, %eq3A_157 : vector<4096xi32>
      %and3A_159 = arith.andi %eq3A_154, %eq3A_158 : vector<4096xi1>
      %jit3A_160 = arith.constant 0.000000e+00 : f32
      %broadcast_in_dim3A_161 = vector.broadcast %jit3A_160 : f32 to vector<4096xf32>
      %select_n3A_162 = arith.select %and3A_159, %reduce_sum3A_150, %broadcast_in_dim3A_161 : vector<4096xi1>, vector<4096xf32>
      %add3A_163 = arith.addf %add3A_146, %select_n3A_162 : vector<4096xf32>
      %slice3A_164 = vector.extract_strided_slice %get3A_38 {offsets = [0, 96], sizes = [4096, 32], strides = [1, 1]} : vector<4096x128xf32> to vector<4096x32xf32>
      %mul3A_165 = arith.mulf %slice3A_112, %slice3A_164 : vector<4096x32xf32>
      %reduce_sum3A_166 = arith.constant dense<0.000000e+00> : vector<4096xf32>
      %reduce_sum3A_167 = vector.multi_reduction <add>, %mul3A_165, %reduce_sum3A_166 [1] : vector<4096x32xf32> to vector<4096xf32>
      %squeeze3A_168 = vector.shape_cast %get3A_41 : vector<4096x1xi32> to vector<4096xi32>
      %eq3A_169 = arith.constant 1 : i32
      %eq3A_170 = vector.broadcast %eq3A_169 : i32 to vector<4096xi32>
      %eq3A_171 = arith.cmpi eq, %squeeze3A_168, %eq3A_170 : vector<4096xi32>
      %squeeze3A_172 = vector.shape_cast %get3A_44 : vector<4096x1xi32> to vector<4096xi32>
      %eq3A_173 = arith.constant 3 : i32
      %eq3A_174 = vector.broadcast %eq3A_173 : i32 to vector<4096xi32>
      %eq3A_175 = arith.cmpi eq, %squeeze3A_172, %eq3A_174 : vector<4096xi32>
      %and3A_176 = arith.andi %eq3A_171, %eq3A_175 : vector<4096xi1>
      %jit3A_177 = arith.constant 0.000000e+00 : f32
      %broadcast_in_dim3A_178 = vector.broadcast %jit3A_177 : f32 to vector<4096xf32>
      %select_n3A_179 = arith.select %and3A_176, %reduce_sum3A_167, %broadcast_in_dim3A_178 : vector<4096xi1>, vector<4096xf32>
      %add3A_180 = arith.addf %add3A_163, %select_n3A_179 : vector<4096xf32>
      %slice3A_181 = vector.extract_strided_slice %get3A_35 {offsets = [0, 64], sizes = [4096, 32], strides = [1, 1]} : vector<4096x128xf32> to vector<4096x32xf32>
      %slice3A_182 = vector.extract_strided_slice %get3A_38 {offsets = [0, 0], sizes = [4096, 32], strides = [1, 1]} : vector<4096x128xf32> to vector<4096x32xf32>
      %mul3A_183 = arith.mulf %slice3A_181, %slice3A_182 : vector<4096x32xf32>
      %reduce_sum3A_184 = arith.constant dense<0.000000e+00> : vector<4096xf32>
      %reduce_sum3A_185 = vector.multi_reduction <add>, %mul3A_183, %reduce_sum3A_184 [1] : vector<4096x32xf32> to vector<4096xf32>
      %squeeze3A_186 = vector.shape_cast %get3A_41 : vector<4096x1xi32> to vector<4096xi32>
      %eq3A_187 = arith.constant 2 : i32
      %eq3A_188 = vector.broadcast %eq3A_187 : i32 to vector<4096xi32>
      %eq3A_189 = arith.cmpi eq, %squeeze3A_186, %eq3A_188 : vector<4096xi32>
      %squeeze3A_190 = vector.shape_cast %get3A_44 : vector<4096x1xi32> to vector<4096xi32>
      %eq3A_191 = arith.constant 0 : i32
      %eq3A_192 = vector.broadcast %eq3A_191 : i32 to vector<4096xi32>
      %eq3A_193 = arith.cmpi eq, %squeeze3A_190, %eq3A_192 : vector<4096xi32>
      %and3A_194 = arith.andi %eq3A_189, %eq3A_193 : vector<4096xi1>
      %jit3A_195 = arith.constant 0.000000e+00 : f32
      %broadcast_in_dim3A_196 = vector.broadcast %jit3A_195 : f32 to vector<4096xf32>
      %select_n3A_197 = arith.select %and3A_194, %reduce_sum3A_185, %broadcast_in_dim3A_196 : vector<4096xi1>, vector<4096xf32>
      %add3A_198 = arith.addf %add3A_180, %select_n3A_197 : vector<4096xf32>
      %slice3A_199 = vector.extract_strided_slice %get3A_38 {offsets = [0, 32], sizes = [4096, 32], strides = [1, 1]} : vector<4096x128xf32> to vector<4096x32xf32>
      %mul3A_200 = arith.mulf %slice3A_181, %slice3A_199 : vector<4096x32xf32>
      %reduce_sum3A_201 = arith.constant dense<0.000000e+00> : vector<4096xf32>
      %reduce_sum3A_202 = vector.multi_reduction <add>, %mul3A_200, %reduce_sum3A_201 [1] : vector<4096x32xf32> to vector<4096xf32>
      %squeeze3A_203 = vector.shape_cast %get3A_41 : vector<4096x1xi32> to vector<4096xi32>
      %eq3A_204 = arith.constant 2 : i32
      %eq3A_205 = vector.broadcast %eq3A_204 : i32 to vector<4096xi32>
      %eq3A_206 = arith.cmpi eq, %squeeze3A_203, %eq3A_205 : vector<4096xi32>
      %squeeze3A_207 = vector.shape_cast %get3A_44 : vector<4096x1xi32> to vector<4096xi32>
      %eq3A_208 = arith.constant 1 : i32
      %eq3A_209 = vector.broadcast %eq3A_208 : i32 to vector<4096xi32>
      %eq3A_210 = arith.cmpi eq, %squeeze3A_207, %eq3A_209 : vector<4096xi32>
      %and3A_211 = arith.andi %eq3A_206, %eq3A_210 : vector<4096xi1>
      %jit3A_212 = arith.constant 0.000000e+00 : f32
      %broadcast_in_dim3A_213 = vector.broadcast %jit3A_212 : f32 to vector<4096xf32>
      %select_n3A_214 = arith.select %and3A_211, %reduce_sum3A_202, %broadcast_in_dim3A_213 : vector<4096xi1>, vector<4096xf32>
      %add3A_215 = arith.addf %add3A_198, %select_n3A_214 : vector<4096xf32>
      %slice3A_216 = vector.extract_strided_slice %get3A_38 {offsets = [0, 64], sizes = [4096, 32], strides = [1, 1]} : vector<4096x128xf32> to vector<4096x32xf32>
      %mul3A_217 = arith.mulf %slice3A_181, %slice3A_216 : vector<4096x32xf32>
      %reduce_sum3A_218 = arith.constant dense<0.000000e+00> : vector<4096xf32>
      %reduce_sum3A_219 = vector.multi_reduction <add>, %mul3A_217, %reduce_sum3A_218 [1] : vector<4096x32xf32> to vector<4096xf32>
      %squeeze3A_220 = vector.shape_cast %get3A_41 : vector<4096x1xi32> to vector<4096xi32>
      %eq3A_221 = arith.constant 2 : i32
      %eq3A_222 = vector.broadcast %eq3A_221 : i32 to vector<4096xi32>
      %eq3A_223 = arith.cmpi eq, %squeeze3A_220, %eq3A_222 : vector<4096xi32>
      %squeeze3A_224 = vector.shape_cast %get3A_44 : vector<4096x1xi32> to vector<4096xi32>
      %eq3A_225 = arith.constant 2 : i32
      %eq3A_226 = vector.broadcast %eq3A_225 : i32 to vector<4096xi32>
      %eq3A_227 = arith.cmpi eq, %squeeze3A_224, %eq3A_226 : vector<4096xi32>
      %and3A_228 = arith.andi %eq3A_223, %eq3A_227 : vector<4096xi1>
      %jit3A_229 = arith.constant 0.000000e+00 : f32
      %broadcast_in_dim3A_230 = vector.broadcast %jit3A_229 : f32 to vector<4096xf32>
      %select_n3A_231 = arith.select %and3A_228, %reduce_sum3A_219, %broadcast_in_dim3A_230 : vector<4096xi1>, vector<4096xf32>
      %add3A_232 = arith.addf %add3A_215, %select_n3A_231 : vector<4096xf32>
      %slice3A_233 = vector.extract_strided_slice %get3A_38 {offsets = [0, 96], sizes = [4096, 32], strides = [1, 1]} : vector<4096x128xf32> to vector<4096x32xf32>
      %mul3A_234 = arith.mulf %slice3A_181, %slice3A_233 : vector<4096x32xf32>
      %reduce_sum3A_235 = arith.constant dense<0.000000e+00> : vector<4096xf32>
      %reduce_sum3A_236 = vector.multi_reduction <add>, %mul3A_234, %reduce_sum3A_235 [1] : vector<4096x32xf32> to vector<4096xf32>
      %squeeze3A_237 = vector.shape_cast %get3A_41 : vector<4096x1xi32> to vector<4096xi32>
      %eq3A_238 = arith.constant 2 : i32
      %eq3A_239 = vector.broadcast %eq3A_238 : i32 to vector<4096xi32>
      %eq3A_240 = arith.cmpi eq, %squeeze3A_237, %eq3A_239 : vector<4096xi32>
      %squeeze3A_241 = vector.shape_cast %get3A_44 : vector<4096x1xi32> to vector<4096xi32>
      %eq3A_242 = arith.constant 3 : i32
      %eq3A_243 = vector.broadcast %eq3A_242 : i32 to vector<4096xi32>
      %eq3A_244 = arith.cmpi eq, %squeeze3A_241, %eq3A_243 : vector<4096xi32>
      %and3A_245 = arith.andi %eq3A_240, %eq3A_244 : vector<4096xi1>
      %jit3A_246 = arith.constant 0.000000e+00 : f32
      %broadcast_in_dim3A_247 = vector.broadcast %jit3A_246 : f32 to vector<4096xf32>
      %select_n3A_248 = arith.select %and3A_245, %reduce_sum3A_236, %broadcast_in_dim3A_247 : vector<4096xi1>, vector<4096xf32>
      %add3A_249 = arith.addf %add3A_232, %select_n3A_248 : vector<4096xf32>
      %slice3A_250 = vector.extract_strided_slice %get3A_35 {offsets = [0, 96], sizes = [4096, 32], strides = [1, 1]} : vector<4096x128xf32> to vector<4096x32xf32>
      %slice3A_251 = vector.extract_strided_slice %get3A_38 {offsets = [0, 0], sizes = [4096, 32], strides = [1, 1]} : vector<4096x128xf32> to vector<4096x32xf32>
      %mul3A_252 = arith.mulf %slice3A_250, %slice3A_251 : vector<4096x32xf32>
      %reduce_sum3A_253 = arith.constant dense<0.000000e+00> : vector<4096xf32>
      %reduce_sum3A_254 = vector.multi_reduction <add>, %mul3A_252, %reduce_sum3A_253 [1] : vector<4096x32xf32> to vector<4096xf32>
      %squeeze3A_255 = vector.shape_cast %get3A_41 : vector<4096x1xi32> to vector<4096xi32>
      %eq3A_256 = arith.constant 3 : i32
      %eq3A_257 = vector.broadcast %eq3A_256 : i32 to vector<4096xi32>
      %eq3A_258 = arith.cmpi eq, %squeeze3A_255, %eq3A_257 : vector<4096xi32>
      %squeeze3A_259 = vector.shape_cast %get3A_44 : vector<4096x1xi32> to vector<4096xi32>
      %eq3A_260 = arith.constant 0 : i32
      %eq3A_261 = vector.broadcast %eq3A_260 : i32 to vector<4096xi32>
      %eq3A_262 = arith.cmpi eq, %squeeze3A_259, %eq3A_261 : vector<4096xi32>
      %and3A_263 = arith.andi %eq3A_258, %eq3A_262 : vector<4096xi1>
      %jit3A_264 = arith.constant 0.000000e+00 : f32
      %broadcast_in_dim3A_265 = vector.broadcast %jit3A_264 : f32 to vector<4096xf32>
      %select_n3A_266 = arith.select %and3A_263, %reduce_sum3A_254, %broadcast_in_dim3A_265 : vector<4096xi1>, vector<4096xf32>
      %add3A_267 = arith.addf %add3A_249, %select_n3A_266 : vector<4096xf32>
      %slice3A_268 = vector.extract_strided_slice %get3A_38 {offsets = [0, 32], sizes = [4096, 32], strides = [1, 1]} : vector<4096x128xf32> to vector<4096x32xf32>
      %mul3A_269 = arith.mulf %slice3A_250, %slice3A_268 : vector<4096x32xf32>
      %reduce_sum3A_270 = arith.constant dense<0.000000e+00> : vector<4096xf32>
      %reduce_sum3A_271 = vector.multi_reduction <add>, %mul3A_269, %reduce_sum3A_270 [1] : vector<4096x32xf32> to vector<4096xf32>
      %squeeze3A_272 = vector.shape_cast %get3A_41 : vector<4096x1xi32> to vector<4096xi32>
      %eq3A_273 = arith.constant 3 : i32
      %eq3A_274 = vector.broadcast %eq3A_273 : i32 to vector<4096xi32>
      %eq3A_275 = arith.cmpi eq, %squeeze3A_272, %eq3A_274 : vector<4096xi32>
      %squeeze3A_276 = vector.shape_cast %get3A_44 : vector<4096x1xi32> to vector<4096xi32>
      %eq3A_277 = arith.constant 1 : i32
      %eq3A_278 = vector.broadcast %eq3A_277 : i32 to vector<4096xi32>
      %eq3A_279 = arith.cmpi eq, %squeeze3A_276, %eq3A_278 : vector<4096xi32>
      %and3A_280 = arith.andi %eq3A_275, %eq3A_279 : vector<4096xi1>
      %jit3A_281 = arith.constant 0.000000e+00 : f32
      %broadcast_in_dim3A_282 = vector.broadcast %jit3A_281 : f32 to vector<4096xf32>
      %select_n3A_283 = arith.select %and3A_280, %reduce_sum3A_271, %broadcast_in_dim3A_282 : vector<4096xi1>, vector<4096xf32>
      %add3A_284 = arith.addf %add3A_267, %select_n3A_283 : vector<4096xf32>
      %slice3A_285 = vector.extract_strided_slice %get3A_38 {offsets = [0, 64], sizes = [4096, 32], strides = [1, 1]} : vector<4096x128xf32> to vector<4096x32xf32>
      %mul3A_286 = arith.mulf %slice3A_250, %slice3A_285 : vector<4096x32xf32>
      %reduce_sum3A_287 = arith.constant dense<0.000000e+00> : vector<4096xf32>
      %reduce_sum3A_288 = vector.multi_reduction <add>, %mul3A_286, %reduce_sum3A_287 [1] : vector<4096x32xf32> to vector<4096xf32>
      %squeeze3A_289 = vector.shape_cast %get3A_41 : vector<4096x1xi32> to vector<4096xi32>
      %eq3A_290 = arith.constant 3 : i32
      %eq3A_291 = vector.broadcast %eq3A_290 : i32 to vector<4096xi32>
      %eq3A_292 = arith.cmpi eq, %squeeze3A_289, %eq3A_291 : vector<4096xi32>
      %squeeze3A_293 = vector.shape_cast %get3A_44 : vector<4096x1xi32> to vector<4096xi32>
      %eq3A_294 = arith.constant 2 : i32
      %eq3A_295 = vector.broadcast %eq3A_294 : i32 to vector<4096xi32>
      %eq3A_296 = arith.cmpi eq, %squeeze3A_293, %eq3A_295 : vector<4096xi32>
      %and3A_297 = arith.andi %eq3A_292, %eq3A_296 : vector<4096xi1>
      %jit3A_298 = arith.constant 0.000000e+00 : f32
      %broadcast_in_dim3A_299 = vector.broadcast %jit3A_298 : f32 to vector<4096xf32>
      %select_n3A_300 = arith.select %and3A_297, %reduce_sum3A_288, %broadcast_in_dim3A_299 : vector<4096xi1>, vector<4096xf32>
      %add3A_301 = arith.addf %add3A_284, %select_n3A_300 : vector<4096xf32>
      %slice3A_302 = vector.extract_strided_slice %get3A_38 {offsets = [0, 96], sizes = [4096, 32], strides = [1, 1]} : vector<4096x128xf32> to vector<4096x32xf32>
      %mul3A_303 = arith.mulf %slice3A_250, %slice3A_302 : vector<4096x32xf32>
      %reduce_sum3A_304 = arith.constant dense<0.000000e+00> : vector<4096xf32>
      %reduce_sum3A_305 = vector.multi_reduction <add>, %mul3A_303, %reduce_sum3A_304 [1] : vector<4096x32xf32> to vector<4096xf32>
      %squeeze3A_306 = vector.shape_cast %get3A_41 : vector<4096x1xi32> to vector<4096xi32>
      %eq3A_307 = arith.constant 3 : i32
      %eq3A_308 = vector.broadcast %eq3A_307 : i32 to vector<4096xi32>
      %eq3A_309 = arith.cmpi eq, %squeeze3A_306, %eq3A_308 : vector<4096xi32>
      %squeeze3A_310 = vector.shape_cast %get3A_44 : vector<4096x1xi32> to vector<4096xi32>
      %eq3A_311 = arith.constant 3 : i32
      %eq3A_312 = vector.broadcast %eq3A_311 : i32 to vector<4096xi32>
      %eq3A_313 = arith.cmpi eq, %squeeze3A_310, %eq3A_312 : vector<4096xi32>
      %and3A_314 = arith.andi %eq3A_309, %eq3A_313 : vector<4096xi1>
      %jit3A_315 = arith.constant 0.000000e+00 : f32
      %broadcast_in_dim3A_316 = vector.broadcast %jit3A_315 : f32 to vector<4096xf32>
      %select_n3A_317 = arith.select %and3A_314, %reduce_sum3A_305, %broadcast_in_dim3A_316 : vector<4096xi1>, vector<4096xf32>
      %add3A_318 = arith.addf %add3A_301, %select_n3A_317 : vector<4096xf32>
      %broadcast_in_dim3A_319 = vector.shape_cast %add3A_318 : vector<4096xf32> to vector<1x4096xf32>
      %swap3A_320 = arith.constant 0 : index
      %swap3A_321 = arith.constant 0 : index
      %swap3A_322 = vector.load %arg10[%swap3A_320, %swap3A_321] : memref<1x4096xf32, #tpu.memory_space<vmem>>, vector<1x4096xf32>
      tpu.vector_store %arg10[%swap3A_320, %swap3A_321], %broadcast_in_dim3A_319 {strides = array<i32>} : memref<1x4096xf32, #tpu.memory_space<vmem>>, vector<1x4096xf32>,
    } else {
    }
    %iota3A = tpu.iota {dimensions = array<i32: 1>} : vector<256x16xi32>
    %get3A = arith.constant 0 : index
    %get3A_2 = arith.constant 0 : index
    %get3A_3 = vector.load %arg7[%get3A, %get3A_2] : memref<256x1xi32, #tpu.memory_space<vmem>>, vector<256x1xi32>
    %eq3A_4 = vector.broadcast %get3A_3 : vector<256x1xi32> to vector<256x16xi32>
    %eq3A_5 = arith.cmpi eq, %iota3A, %eq3A_4 : vector<256x16xi32>
    %get3A_6 = arith.constant 0 : index
    %get3A_7 = arith.constant 0 : index
    %get3A_8 = vector.load %arg3[%get3A_6, %get3A_7] : memref<256x16xf32, #tpu.memory_space<vmem>>, vector<256x16xf32>
    %jit3A = arith.constant 0.000000e+00 : f32
    %broadcast_in_dim3A = vector.broadcast %jit3A : f32 to vector<256x16xf32>
    %select_n3A = arith.select %eq3A_5, %get3A_8, %broadcast_in_dim3A : vector<256x16xi1>, vector<256x16xf32>
    %reduce_sum3A = arith.constant dense<0.000000e+00> : vector<256xf32>
    %reduce_sum3A_9 = vector.multi_reduction <add>, %select_n3A, %reduce_sum3A [1] : vector<256x16xf32> to vector<256xf32>
    %broadcast_in_dim3A_10 = vector.shape_cast %reduce_sum3A_9 : vector<256xf32> to vector<256x1xf32>
    %get3A_11 = arith.constant 0 : index
    %get3A_12 = arith.constant 0 : index
    %get3A_13 = vector.load %arg8[%get3A_11, %get3A_12] : memref<256x1xi32, #tpu.memory_space<vmem>>, vector<256x1xi32>
    %eq3A_14 = vector.broadcast %get3A_13 : vector<256x1xi32> to vector<256x16xi32>
    %eq3A_15 = arith.cmpi eq, %iota3A, %eq3A_14 : vector<256x16xi32>
    %get3A_16 = arith.constant 0 : index
    %get3A_17 = arith.constant 0 : index
    %get3A_18 = vector.load %arg4[%get3A_16, %get3A_17] : memref<256x16xf32, #tpu.memory_space<vmem>>, vector<256x16xf32>
    %jit3A_19 = arith.constant 0.000000e+00 : f32
    %broadcast_in_dim3A_20 = vector.broadcast %jit3A_19 : f32 to vector<256x16xf32>
    %select_n3A_21 = arith.select %eq3A_15, %get3A_18, %broadcast_in_dim3A_20 : vector<256x16xi1>, vector<256x16xf32>
    %reduce_sum3A_22 = arith.constant dense<0.000000e+00> : vector<256xf32>
    %reduce_sum3A_23 = vector.multi_reduction <add>, %select_n3A_21, %reduce_sum3A_22 [1] : vector<256x16xf32> to vector<256xf32>
    %broadcast_in_dim3A_24 = vector.shape_cast %reduce_sum3A_23 : vector<256xf32> to vector<256x1xf32>
    %get3A_25 = arith.constant 0 : index
    %get3A_26 = arith.constant 0 : index
    %get3A_27 = vector.load %arg10[%get3A_25, %get3A_26] : memref<1x4096xf32, #tpu.memory_space<vmem>>, vector<1x4096xf32>
    %add3A = arith.addf %broadcast_in_dim3A_10, %broadcast_in_dim3A_24 : vector<256x1xf32>
    %add3A_28 = vector.broadcast %get3A_27 : vector<1x4096xf32> to vector<256x4096xf32>
    %add3A_29 = vector.broadcast %add3A : vector<256x1xf32> to vector<256x4096xf32>
    %add3A_30 = arith.addf %add3A_28, %add3A_29 : vector<256x4096xf32>
    %swap3A = arith.constant 0 : index
    %swap3A_31 = arith.constant 0 : index
    %swap3A_32 = vector.load %arg9[%swap3A, %swap3A_31] : memref<256x4096xf32, #tpu.memory_space<vmem>>, vector<256x4096xf32>
    tpu.vector_store %arg9[%swap3A, %swap3A_31], %add3A_30 {strides = array<i32>} : memref<256x4096xf32, #tpu.memory_space<vmem>>, vector<256x4096xf32>,
    return
  }
  func.func @transform_0(%arg0: i32) -> (i32, i32) {
    %c0_i32 = arith.constant 0 : i32
    %c0_i32_0 = arith.constant 0 : i32
    %c0_i32_1 = arith.constant 0 : i32
    return %c0_i32, %c0_i32_0 : i32, i32
  }
  func.func @transform_1(%arg0: i32) -> (i32, i32) {
    %c0_i32 = arith.constant 0 : i32
    %c0_i32_0 = arith.constant 0 : i32
    %c0_i32_1 = arith.constant 0 : i32
    return %c0_i32, %c0_i32_0 : i32, i32
  }
  func.func @transform_2(%arg0: i32) -> (i32, i32) {
    %c0_i32 = arith.constant 0 : i32
    %c0_i32_0 = arith.constant 0 : i32
    return %arg0, %c0_i32 : i32, i32
  }
  func.func @transform_3(%arg0: i32) -> (i32, i32) {
    %c0_i32 = arith.constant 0 : i32
    %c0_i32_0 = arith.constant 0 : i32
    return %arg0, %c0_i32 : i32, i32
  }
  func.func @transform_4(%arg0: i32) -> (i32, i32) {
    %c0_i32 = arith.constant 0 : i32
    %c0_i32_0 = arith.constant 0 : i32
    %c0_i32_1 = arith.constant 0 : i32
    return %c0_i32, %c0_i32_0 : i32, i32
  }
  func.func @transform_5(%arg0: i32) -> (i32, i32) {
    %c0_i32 = arith.constant 0 : i32
    %c0_i32_0 = arith.constant 0 : i32
    %c0_i32_1 = arith.constant 0 : i32
    return %c0_i32, %c0_i32_0 : i32, i32
  }
  func.func @transform_6(%arg0: i32) -> (i32, i32) {
    %c0_i32 = arith.constant 0 : i32
    %c0_i32_0 = arith.constant 0 : i32
    return %arg0, %c0_i32 : i32, i32
  }
  func.func @transform_7(%arg0: i32) -> (i32, i32) {
    %c0_i32 = arith.constant 0 : i32
    %c0_i32_0 = arith.constant 0 : i32
    return %arg0, %c0_i32 : i32, i32
  }
  func.func @transform_8(%arg0: i32) -> (i32, i32) {
    %c0_i32 = arith.constant 0 : i32
    %c0_i32_0 = arith.constant 0 : i32
    return %arg0, %c0_i32 : i32, i32
  }
}

</mosaic_0001>

<sc_bundles>
// kernel: kernel.4.cloned.1.call-start
scs
__scs_entry_jumppad:
0x0: {  	(pc) =	sbr.rel $0x88, $3  }
0x1: {  	(tag) =	ssettag $0x0;
	lr =	simm.s32 $0x1  }
0x2: {  	[smem:$0x3F9B] =	sst lr;
	_ =	strace $0xD0000000  }
0x3: {  	_ = 	snop  }
0x4: {  	_ = 	snop  }
0x5: {  	_ = 	snop  }
0x6: {  	_ = 	snop  }
0x7: {  	_ = 	snop  }
__scs_overlays_trampoline_lowered:
0x8: {  	[smem:$0x3FAA] =	sst s0  }
0x9: {  	[smem:$0x3FAB] =	sst s1  }
0xa: {  	[smem:$0x3FAC] =	sst s2  }
0xb: {  	[smem:$0x3FAD] =	sst s3  }
0xc: {  	[smem:$0x3FAE] =	sst s4  }
0xd: {  	[smem:$0x3FAF] =	sst s5  }
0xe: {  	[smem:$0x3FB0] =	sst s6  }
0xf: {  	[smem:$0x3FB1] =	sst s7  }
0x10: {  	[smem:$0x3FB2] =	sst s8  }
0x11: {  	[smem:$0x3FB3] =	sst s9;
	s0 =	simm.s32 @!p0 $0x0  }
0x12: {  	s1 =	sld [smem:$0x3F99];
	s0 =	simm.s32 @p0 $0x1  }
0x13: {  	[smem:$0x3FB4] =	sst s0;
	s0 =	simm.s32 @!p1 $0x0  }
0x14: {  	s2 =	sld [smem:$0x3F98];
	s0 =	simm.s32 @p1 $0x1  }
0x15: {  	[smem:$0x3FB5] =	sst s0;
	s0 =	simm.s32 @!p2 $0x0  }
0x16: {  	s3 =	sld [smem:$0x3FDB];
	s0 =	simm.s32 @p2 $0x1  }
0x17: {  	s4 =	simm.s32 $0x1BF5;
	[smem:$0x3FB7] =	sst s0  }
0x18: {  	s0 =	sld [smem:$0x3F9A];
	_ =	swait.ge [sflag:s4], $0x0  }
0x19: {  	s7 =	sld [smem:$0x3F9B]  }
0x1a: {  	s8 =	sadd.s32 $0xFFFFE003, lr  }
0x1b: {  	s9 =	sadd.s32 $0xFFFFFEF7, lr;
	s5 =	simm.s32 $0xFFFFFFFF;
	p2 =	slt.u32 s8, $0xFFFFF086  }
0x1c: {  	p1 =	slt.u32 s9, $0xF7A;
	s5 =	simm.s32 @!p2 $0x0  }
0x1d: {  	s5 =	simm.s32 @p1 $0x1;
	p0 =	seq.s32 s7, s2  }
0x1e: {  	s7 =	smul.u32 @!p0 $0xF7A, s2;
	p2 =	seq.s32 @!p0 s5, $0x0  }
0x1f: {  	s9 =	smul.u32 $0xF7A, s1;
	s8 =	simm.s32 @!p0 $0x1BF5;
	p2 =	por !p2, p0  }
0x20: {  	[sflag:s8] =	ssyncset.s32 @!p0 $0xFFFFF086;
	s6 =	sadd.s32 @!p0 s3, s7;
	s7 =	simm.s32 @!p0 $0x108  }
0x21: {  	s3 =	sadd.s32 s3, s9;
	s6 =	sadd.s32 @!p0 $0x88, s6;
	s7 =	simm.s32 @p2 $0x1082  }
0x22: {  	[simem:s7], [sflag:s8] =	dma.local @!p0 [hbm:s6], $0xF7A  }
0x23: {  	s9 =	sor.u32 $0xD0000000, s2;
	s6 =	simm.s32 $0x108;
	_ =	swait.ge @!p0 [sflag:s8], $0x0  }
0x24: {  	s3 =	sadd.s32 $0x88, s3;
	s6 =	simm.s32 @!p1 $0x1082;
	[sflag:s4] =	ssyncset.s32 $0xFFFFF086  }
0x25: {  	[simem:s6], [sflag:s4] =	dma.local [hbm:s3], $0xF7A  }
0x26: {  	[smem:$0x3F9B] =	sst s1;
	(tag) =	ssettag s2;
	_ =	strace s9  }
0x27: {  	s1 =	sld [smem:$0x3FAB]  }
0x28: {  	s2 =	sld [smem:$0x3FAC]  }
0x29: {  	s4 =	sld [smem:$0x3FAE]  }
0x2a: {  	p0 =	seq.s32 s5, $0x0;
	s5 =	sld [smem:$0x3FAF]  }
0x2b: {  	s6 =	sld [smem:$0x3FB0]  }
0x2c: {  	s7 =	sld [smem:$0x3FB1]  }
0x2d: {  	s3 =	simm.s32 $0x108;
	s8 =	sld [smem:$0x3FB2]  }
0x2e: {  	s3 =	simm.s32 @!p0 $0x1082;
	s9 =	sld [smem:$0x3FB3]  }
0x2f: {  	lr =	sadd.s32 s0, s3;
	s0 =	sld [smem:$0x3FAA]  }
0x30: {  	s3 =	sld [smem:$0x3FAD]  }
0x31: {  	[smem:$0x3FB6] =	sst s10  }
0x32: {  	s10 =	sld [smem:$0x3FB4];
	_ =	sdelay $0x3  }
0x33: {  	p0 =	seq.s32 s10, $0x1;
	s10 =	sld [smem:$0x3FB6];
	_ =	sdelay $0x3  }
0x34: {  	[smem:$0x3FB6] =	sst s10  }
0x35: {  	s10 =	sld [smem:$0x3FB5];
	_ =	sdelay $0x3  }
0x36: {  	p1 =	seq.s32 s10, $0x1;
	s10 =	sld [smem:$0x3FB6];
	_ =	sdelay $0x3  }
0x37: {  	[smem:$0x3FB6] =	sst s10  }
0x38: {  	s10 =	sld [smem:$0x3FB7]  }
0x39: {  	_ = 	snop;
	(pc) =	sbr.ind lr, $3  }
0x3a: {  	_ = 	snop  }
0x3b: {  	_ = 	snop  }
0x3c: {  	p2 =	seq.s32 s10, $0x1;
	s10 =	sld [smem:$0x3FB6]  }
0x3d: {  	_ =	shalt  }
0x3e: {  	_ =	shalt  }
0x3f: {  	_ =	shalt  }
0x40: {  	_ =	shalt  }
0x41: {  	_ =	shalt  }
0x42: {  	_ =	shalt  }
0x43: {  	_ =	shalt  }
0x44: {  	_ =	shalt  }
0x45: {  	_ =	shalt  }
0x46: {  	_ =	shalt  }
0x47: {  	_ =	shalt  }
0x48: {  	_ =	shalt  }
0x49: {  	_ =	shalt  }
0x4a: {  	_ =	shalt  }
0x4b: {  	_ =	shalt  }
0x4c: {  	_ =	shalt  }
0x4d: {  	_ =	shalt  }
0x4e: {  	_ =	shalt  }
0x4f: {  	_ =	shalt  }
0x50: {  	_ =	shalt  }
0x51: {  	_ =	shalt  }
0x52: {  	_ =	shalt  }
0x53: {  	_ =	shalt  }
0x54: {  	_ =	shalt  }
0x55: {  	_ =	shalt  }
0x56: {  	_ =	shalt  }
0x57: {  	_ =	shalt  }
0x58: {  	_ =	shalt  }
0x59: {  	_ =	shalt  }
0x5a: {  	_ =	shalt  }
0x5b: {  	_ =	shalt  }
0x5c: {  	_ =	shalt  }
0x5d: {  	_ =	shalt  }
0x5e: {  	_ =	shalt  }
0x5f: {  	_ =	shalt  }
0x60: {  	_ =	shalt  }
0x61: {  	_ =	shalt  }
0x62: {  	_ =	shalt  }
0x63: {  	_ =	shalt  }
0x64: {  	_ =	shalt  }
0x65: {  	_ =	shalt  }
0x66: {  	_ =	shalt  }
0x67: {  	_ =	shalt  }
0x68: {  	_ =	shalt  }
0x69: {  	_ =	shalt  }
0x6a: {  	_ =	shalt  }
0x6b: {  	_ =	shalt  }
0x6c: {  	_ =	shalt  }
0x6d: {  	_ =	shalt  }
0x6e: {  	_ =	shalt  }
0x6f: {  	_ =	shalt  }
0x70: {  	_ =	shalt  }
0x71: {  	_ =	shalt  }
0x72: {  	_ =	shalt  }
0x73: {  	_ =	shalt  }
0x74: {  	_ =	shalt  }
0x75: {  	_ =	shalt  }
0x76: {  	_ =	shalt  }
0x77: {  	_ =	shalt  }
0x78: {  	_ =	shalt  }
0x79: {  	_ =	shalt  }
0x7a: {  	_ =	shalt  }
0x7b: {  	_ =	shalt  }
0x7c: {  	_ =	shalt  }
0x7d: {  	_ =	shalt  }
0x7e: {  	_ =	shalt  }
0x7f: {  	_ =	shalt  }
0x80: {  	_ =	shalt  }
0x81: {  	_ =	shalt  }
0x82: {  	_ =	shalt  }
0x83: {  	_ =	shalt  }
0x84: {  	_ =	shalt  }
0x85: {  	_ =	shalt  }
0x86: {  	_ =	shalt  }
0x87: {  	_ =	shalt  }
.Lfunc_end0:
.L_simem_size_0:
called_computation_lowered:
.L_overlay_start_0:
0x88: {  	s2 =	sld [smem:$0x3FD9]  }
0x89: {  	s3 =	sld [smem:$0x3FFE];
	_ =	sdelay $0x1  }
0x8a: {  	s1 =	srdreg.scid  }
0x8b: {  	s0 =	sand.u32 $0x1, s1  }
0x8c: {  	s17 =	sshll.u32 s0, $0xA;
	s2 =	sadd.s32 s3, s2  }
0x8d: {  	s2 =	sadd.s32 s2, s17  }
0x8e: {  	[smem:$0x3FC2] =	sst s2  }
0x8f: {  	_ = 	snop  }
0x90: {  	s2 =	sld [smem:$0x3FD0];
	(tm) =	ssettm $0x1  }
0x91: {  	s18 =	sld [smem:$0x3FFB];
	_ =	sdelay $0x3  }
0x92: {  	_ =	strace s18  }
0x93: {  	s3 =	sld [smem:$0x3FFC];
	_ =	sdelay $0x3  }
0x94: {  	_ =	strace s3  }
0x95: {  	s3 =	sld [smem:$0x3FFD];
	_ =	sdelay $0x3  }
0x96: {  	_ =	strace s3  }
0x97: {  	_ =	strace $0x8FFFFFFF  }
0x98: {  	s19 =	sld [smem:$0x3FDB];
	_ =	sdelay $0x1  }
0x99: {  	s4 =	simm.s32 $_scs_section_size  }
0x9a: {  	s5 =	simm.s32 $_size__tile_overlayer_lowered;
	s6 =	simm.s32 $_tile_overlayer_lowered  }
0x9b: {  	s22 =	simm.s32 $0x1BFF;
	s21 =	sshll.u32 s6, $0x1;
	s3 =	sadd.s32 s4, s19  }
0x9c: {  	s7 =	simm.s32 $0x0;
	s20 =	sshll.u32 s5, $0x1;
	s5 =	sadd.s32 s21, s3  }
0x9d: {  	[timem:s7], [sflag:s22] =	dma.local [hbm:s5], s20  }
0x9e: {  	_ =	swait.ge [sflag:s22], s20  }
0x9f: {  	s4 =	ssub.s32 $0x0, s20;
	[sflag:s22] =	ssyncset.done $0x0  }
0xa0: {  	[sflag:s22] =	ssyncadd.s32 s4;
	_ =	sdelay $0x1  }
0xa1: {  	s23 =	simm.s32 $0x1B8B  }
0xa2: {  	_ =	swait.ge [sflag:s23], $0x1  }
0xa3: {  	[sflag:s23] =	ssyncset.done $0x0  }
0xa4: {  	s25 =	simm.s32 $0x1B8E;
	s24 =	sld [smem:$0x3FFE];
	[sflag:s23] =	ssyncadd.s32 $0xFFFFFFFF  }
0xa5: {  	s26 =	simm.s32 $execute0_lowered;
	[smem:$0x3FD2] =	sst s25  }
0xa6: {  	s5 =	sshll.u32 s26, $0x1;
	_ =	strace $0x80000046;
	[dreg:$0x1] =	wrdreg $0xFFFFFFFF  }
0xa7: {  	s28 =	simm.s32 $_size_execute0_lowered;
	s3 =	sadd.s32 s3, s5;
	[dreg:$0x0] =	wrdreg $0x0  }
0xa8: {  	s5 =	sshll.u32 s28, $0x1;
	[dreg:$0x2] =	wrdreg s3  }
0xa9: {  	[dreg:$0x3] =	wrdreg s5  }
0xaa: {  	[dreg:$0x4] =	wrdreg $0xC0  }
0xab: {  	_ =	task [dreg:s7], $0x5FFFF  }
0xac: {  	[dreg:$0x1] =	wrdreg $0xFFFFFFFF  }
0xad: {  	[dreg:$0x0] =	wrdreg $0x60  }
0xae: {  	[dreg:$0x2] =	wrdreg s24  }
0xaf: {  	[dreg:$0x3] =	wrdreg s2  }
0xb0: {  	[dreg:$0x4] =	wrdreg $0x9  }
0xb1: {  	_ =	task.clear_ibuf [dreg:s7], $0x5FFFF;
	_ =	strace $0x90000046  }
0xb2: {  	s29 =	simm.s32 $0x9;
	_ =	strace $0x80000048  }
0xb3: {  	_ =	swait.ge [sflag:s29], $0x1  }
0xb4: {  	[sflag:s29] =	ssyncadd.s32 $0xFFFFFFFF  }
0xb5: {  	_ =	strace $0x90000048  }
0xb6: {  	_ =	sfence  }
0xb7: {  	s30 =	sld [smem:$0x0];
	_ =	sdelay $0x2  }
0xb8: {  	s31 =	sshll.u32 s1, $0xD;
	s1 =	sshrl.u32 s1, $0x2  }
0xb9: {  	s3 =	sand.u32 $0x4000, s31;
	s1 =	sadd.s32 s1, s30  }
0xba: {  	s0 =	sor.u32 s3, s0;
	s1 =	sshll.u32 s1, $0x11  }
0xbb: {  	s0 =	sor.u32 s1, s0  }
0xbc: {  	s0 =	sadd.s32 $0x8F2B, s0  }
0xbd: {  	[sflag:s0] =	ssyncadd.remote.s32 $0x1  }
0xbe: {  	_ =	sfence.sel $0xFFFF  }
0xbf: {  	[dreg:$0x0] =	wrdreg $0xFFFFFFFF;
	(pc) =	sbr.abs _section_cstart, $3  }
0xc0: {  	[dreg:$0x1] =	wrdreg $0xFFFFFFFF  }
0xc1: {  	_ =	task.clear_ibuf [dreg:s7], $0x2FFFF;
	_ =	strace $0x9FFFFFFF  }
0xc2: {  	(tm) =	ssettm $0x7FFFFFFF  }
0xc3: {  	_ =	shalt  }
tec
execute0_lowered:
.L_overlay_start_1:
0x0: {  	(tag) =	ssettag $0x1  }
0x1: {  	s1 =	srdreg.scid  }
0x2: {  	s0 =	stileid.u32;
	s25 =	sand.u32 $0x1, s1  }
0x3: {  	s26 =	rddreg [dreg:$0x0];
	s31 =	sshll.u32 s0, $0x8;
	s3 =	sshll.u32 s25, $0x7  }
0x4: {  	s2 =	rddreg [dreg:$0x1];
	s28 =	sor.u32 s3, s31  }
0x5: {  	s1 =	rddreg [dreg:$0x2];
	s3 =	simm.s32 $0x0;
	s4 =	sshrl.u32 s28, $0x3  }
0x6: {  	[smem:$0x7FF] =	sst s3;
	s10 =	sadd.s32 s4, s26  }
0x7: {  	_ =	strace $0x80000047;
	s4 =	simm.s32 $0x5;
	s5 =	sadd.s32 $0x20600, s10  }
0x8: {  	[tilespmem:s3], [sflag:$0x5] =	stream.linear.gather [hbm4b:s5+s3], $0x80, $0x38;
	[tilespmem:$0x9200] =	vst v63  }
0x9: {  	_ =	swait.ge [sflag:s4], $0x80  }
0xa: {  	[sflag:s4] =	ssyncset.done $0x0  }
0xb: {  	s7 =	simm.s32 $0x80;
	s6 =	sadd.s32 $0x20E00, s10;
	[sflag:s4] =	ssyncadd.s32 $0xFFFFFF80  }
0xc: {  	[tilespmem:s7], [sflag:$0x5] =	stream.linear.gather [hbm4b:s6+s3], $0x80, $0x38;
	[tilespmem:$0x9200] =	vst v63  }
0xd: {  	_ =	swait.ge [sflag:s4], $0x80  }
0xe: {  	[sflag:s4] =	ssyncset.done $0x0  }
0xf: {  	s9 =	simm.s32 $0x100;
	s8 =	sadd.s32 $0x20400, s10;
	[sflag:s4] =	ssyncadd.s32 $0xFFFFFF80  }
0x10: {  	[tilespmem:s9], [sflag:$0x5] =	stream.linear.gather [hbm4b:s8+s3], $0x80, $0x38;
	[tilespmem:$0x9200] =	vst v63  }
0x11: {  	_ =	swait.ge [sflag:s4], $0x80  }
0x12: {  	[sflag:s4] =	ssyncset.done $0x0  }
0x13: {  	s11 =	simm.s32 $0x180;
	s10 =	sadd.s32 $0x20C00, s10;
	[sflag:s4] =	ssyncadd.s32 $0xFFFFFF80  }
0x14: {  	[tilespmem:s11], [sflag:$0x5] =	stream.linear.gather [hbm4b:s10+s3], $0x80, $0x38;
	[tilespmem:$0x9200] =	vst v63  }
0x15: {  	_ =	swait.ge [sflag:s4], $0x80  }
0x16: {  	[sflag:s4] =	ssyncset.done $0x0  }
0x17: {  	s13 =	simm.s32 $0x200;
	s12 =	sadd.s32 $0xF43A00, s26;
	[sflag:s4] =	ssyncadd.s32 $0xFFFFFF80  }
0x18: {  	[tilespmem:s13], [sflag:$0x1] =	stream.indirect.gather [hbm4b:s12+s7], $0x80, s3, s7, $0xb8;
	[tilespmem:$0x9200] =	vst v63  }
0x19: {  	s15 =	simm.s32 $0x4200;
	s14 =	sadd.s32 $0x1314400, s26  }
0x1a: {  	[tilespmem:s15], [sflag:$0x2] =	stream.indirect.gather [hbm4b:s14+s7], $0x80, s7, s7, $0xb8;
	[tilespmem:$0x9200] =	vst v63  }
0x1b: {  	s16 =	simm.s32 $0x8200  }
0x1c: {  	[tilespmem:s16], [sflag:$0x3] =	stream.indirect.gather [hbm4b:s2+s7], $0x10, s9, s7, $0xb8;
	[tilespmem:$0x9200] =	vst v63  }
0x1d: {  	s18 =	simm.s32 $0x8A00;
	s19 =	simm.s32 $0x1;
	s17 =	sadd.s32 $0x1600, s26  }
0x1e: {  	[tilespmem:s18], [sflag:$0x4] =	stream.indirect.gather [hbm4b:s17+s7], $0x10, s11, s7, $0xb8;
	[tilespmem:$0x9200] =	vst v63  }
0x1f: {  	_ =	swait.ge [sflag:s19], $0x4000  }
0x20: {  	[sflag:s19] =	ssyncset.done $0x0  }
0x21: {  	s20 =	simm.s32 $0x2;
	[sflag:s19] =	ssyncadd.s32 $0xFFFFC000  }
0x22: {  	_ =	swait.ge [sflag:s20], $0x4000  }
0x23: {  	[sflag:s20] =	ssyncset.done $0x0  }
0x24: {  	s21 =	simm.s32 $0x3;
	[sflag:s20] =	ssyncadd.s32 $0xFFFFC000  }
0x25: {  	_ =	swait.ge [sflag:s21], $0x800  }
0x26: {  	[sflag:s21] =	ssyncset.done $0x0  }
0x27: {  	s22 =	simm.s32 $0x4;
	[sflag:s21] =	ssyncadd.s32 $0xFFFFF800  }
0x28: {  	s23 =	sshll.u32 s28, $0x4;
	_ =	swait.ge [sflag:s22], $0x800  }
0x29: {  	s24 =	sadd.s32 s23, s26;
	[sflag:s22] =	ssyncset.done $0x0  }
0x2a: {  	s23 =	sadd.s32 $0x25000, s24;
	[sflag:s22] =	ssyncadd.s32 $0xFFFFF800  }
0x2b: {  	[hbm4b:s23+s3] =	stream.linear.scatter [tilespmem:s13], [sflag:$0x5], $0x4000, $0x38;
	[tilespmem:$0x9200] =	vst v63  }
0x2c: {  	s28 =	sshll.u32 s28, $0x1;
	_ =	swait.ge [sflag:s4], $0x4000  }
0x2d: {  	s26 =	sadd.s32 s28, s26;
	[sflag:s4] =	ssyncset.done $0x0  }
0x2e: {  	s28 =	ssub.s32 $0x2, s25;
	s24 =	sadd.s32 $0x35000, s24;
	[sflag:s4] =	ssyncadd.s32 $0xFFFFC000  }
0x2f: {  	[hbm4b:s24+s3] =	stream.linear.scatter [tilespmem:s15], [sflag:$0x5], $0x4000, $0x38;
	[tilespmem:$0x9200] =	vst v63  }
0x30: {  	s29 =	sshrl.u32 s28, $0x1;
	_ =	swait.ge [sflag:s4], $0x4000  }
0x31: {  	s28 =	ssub.s32 s28, s29;
	[sflag:s4] =	ssyncset.done $0x0  }
0x32: {  	s25 =	sadd.s32 $0x21000, s26;
	s28 =	smax.u32 s28, $0x1;
	[sflag:s4] =	ssyncadd.s32 $0xFFFFC000  }
0x33: {  	[hbm4b:s25+s3] =	stream.linear.scatter [tilespmem:s16], [sflag:$0x5], $0x800, $0x38;
	[tilespmem:$0x9200] =	vst v63  }
0x34: {  	p0 =	sne.s32 s28, $0x1;
	_ =	swait.ge [sflag:s4], $0x800  }
.Ltmp0:
0x35: {  	[sflag:s4] =	ssyncset.done $0x0;
	(pc) =	sbr.rel @!p0 .LBB2_2-.Ltmp0, $4  }
0x36: {  	s26 =	sadd.s32 $0x23000, s26;
	[sflag:s4] =	ssyncadd.s32 $0xFFFFF800  }
0x37: {  	[hbm4b:s26+s3] =	stream.linear.scatter [tilespmem:s18], [sflag:$0x5], $0x800, $0x38;
	[tilespmem:$0x9200] =	vst v63  }
0x38: {  	_ =	swait.ge [sflag:s4], $0x800  }
0x39: {  	s28 =	sadd.s32 $0xFFFFFFFF, s28;
	[sflag:s4] =	ssyncset.done $0x0  }
.LBB2_1:
0x3a: {  	p0 =	sne.s32 s28, $0x1;
	s28 =	sadd.s32 $0xFFFFFFFF, s28;
	[sflag:s4] =	ssyncadd.s32 $0xFFFFF800  }
0x3b: {  	[tilespmem:s3], [sflag:$0x5] =	stream.linear.gather [hbm4b:s5+s3], $0x80, $0x38;
	[tilespmem:$0x9200] =	vst v63  }
0x3c: {  	_ =	swait.ge [sflag:s4], $0x80  }
0x3d: {  	[sflag:s4] =	ssyncset.done $0x0  }
0x3e: {  	[sflag:s4] =	ssyncadd.s32 $0xFFFFFF80  }
0x3f: {  	[tilespmem:s7], [sflag:$0x5] =	stream.linear.gather [hbm4b:s6+s3], $0x80, $0x38;
	[tilespmem:$0x9200] =	vst v63  }
0x40: {  	_ =	swait.ge [sflag:s4], $0x80  }
0x41: {  	[sflag:s4] =	ssyncset.done $0x0  }
0x42: {  	[sflag:s4] =	ssyncadd.s32 $0xFFFFFF80  }
0x43: {  	[tilespmem:s9], [sflag:$0x5] =	stream.linear.gather [hbm4b:s8+s3], $0x80, $0x38;
	[tilespmem:$0x9200] =	vst v63  }
0x44: {  	_ =	swait.ge [sflag:s4], $0x80  }
0x45: {  	[sflag:s4] =	ssyncset.done $0x0  }
0x46: {  	[sflag:s4] =	ssyncadd.s32 $0xFFFFFF80  }
0x47: {  	[tilespmem:s11], [sflag:$0x5] =	stream.linear.gather [hbm4b:s10+s3], $0x80, $0x38;
	[tilespmem:$0x9200] =	vst v63  }
0x48: {  	_ =	swait.ge [sflag:s4], $0x80  }
0x49: {  	[sflag:s4] =	ssyncset.done $0x0  }
0x4a: {  	[sflag:s4] =	ssyncadd.s32 $0xFFFFFF80  }
0x4b: {  	[tilespmem:s13], [sflag:$0x1] =	stream.indirect.gather [hbm4b:s12+s7], $0x80, s3, s7, $0xb8;
	[tilespmem:$0x9200] =	vst v63  }
0x4c: {  	_ = 	snop  }
0x4d: {  	[tilespmem:s15], [sflag:$0x2] =	stream.indirect.gather [hbm4b:s14+s7], $0x80, s7, s7, $0xb8;
	[tilespmem:$0x9200] =	vst v63  }
0x4e: {  	_ = 	snop  }
0x4f: {  	[tilespmem:s16], [sflag:$0x3] =	stream.indirect.gather [hbm4b:s2+s7], $0x10, s9, s7, $0xb8;
	[tilespmem:$0x9200] =	vst v63  }
0x50: {  	_ = 	snop  }
0x51: {  	[tilespmem:s18], [sflag:$0x4] =	stream.indirect.gather [hbm4b:s17+s7], $0x10, s11, s7, $0xb8;
	[tilespmem:$0x9200] =	vst v63  }
0x52: {  	_ =	swait.ge [sflag:s19], $0x4000  }
0x53: {  	[sflag:s19] =	ssyncset.done $0x0  }
0x54: {  	[sflag:s19] =	ssyncadd.s32 $0xFFFFC000  }
0x55: {  	_ =	swait.ge [sflag:s20], $0x4000  }
0x56: {  	[sflag:s20] =	ssyncset.done $0x0  }
0x57: {  	[sflag:s20] =	ssyncadd.s32 $0xFFFFC000  }
0x58: {  	_ =	swait.ge [sflag:s21], $0x800  }
0x59: {  	[sflag:s21] =	ssyncset.done $0x0  }
0x5a: {  	[sflag:s21] =	ssyncadd.s32 $0xFFFFF800  }
0x5b: {  	_ =	swait.ge [sflag:s22], $0x800  }
0x5c: {  	[sflag:s22] =	ssyncset.done $0x0  }
0x5d: {  	[sflag:s22] =	ssyncadd.s32 $0xFFFFF800  }
0x5e: {  	[hbm4b:s23+s3] =	stream.linear.scatter [tilespmem:s13], [sflag:$0x5], $0x4000, $0x38;
	[tilespmem:$0x9200] =	vst v63  }
0x5f: {  	_ =	swait.ge [sflag:s4], $0x4000  }
0x60: {  	[sflag:s4] =	ssyncset.done $0x0  }
0x61: {  	[sflag:s4] =	ssyncadd.s32 $0xFFFFC000  }
0x62: {  	[hbm4b:s24+s3] =	stream.linear.scatter [tilespmem:s15], [sflag:$0x5], $0x4000, $0x38;
	[tilespmem:$0x9200] =	vst v63  }
0x63: {  	_ =	swait.ge [sflag:s4], $0x4000  }
0x64: {  	[sflag:s4] =	ssyncset.done $0x0  }
0x65: {  	[sflag:s4] =	ssyncadd.s32 $0xFFFFC000  }
0x66: {  	[hbm4b:s25+s3] =	stream.linear.scatter [tilespmem:s16], [sflag:$0x5], $0x800, $0x38;
	[tilespmem:$0x9200] =	vst v63  }
0x67: {  	_ =	swait.ge [sflag:s4], $0x800  }
.Ltmp1:
0x68: {  	[sflag:s4] =	ssyncset.done $0x0;
	(pc) =	sbr.rel @p0 .LBB2_1-.Ltmp1, $4  }
0x69: {  	[sflag:s4] =	ssyncadd.s32 $0xFFFFF800  }
0x6a: {  	[hbm4b:s26+s3] =	stream.linear.scatter [tilespmem:s18], [sflag:$0x5], $0x800, $0x38;
	[tilespmem:$0x9200] =	vst v63  }
0x6b: {  	_ =	swait.ge [sflag:s4], $0x800  }
0x6c: {  	[sflag:s4] =	ssyncset.done $0x0  }
.LBB2_2:
0x6d: {  	[sflag:s4] =	ssyncadd.s32 $0xFFFFF800  }
0x6e: {  	_ =	sfence.sel $0x180000  }
0x6f: {  	[bflag:$0x0] =	sbarrier.arrive $0xFFFF  }
0x70: {  	p0 =	sne.s32 s0, $0x0;
	_ =	strace $0x90000047  }
0x71: {  	s0 =	sadd.s32 @!p0 $0x100000, s1;
	[bflag:$0x2] =	sbarrier.arrive $0xFFFF  }
0x72: {  	[sflag:s0] =	ssyncadd.tile.s32 @!p0 $0x1;
	_ =	shalt  }
.Lfunc_end2:
_tile_overlayer_lowered:
.L_overlay_start_2:
0x73: {  	(tag) =	ssettag $0x2  }
0x74: {  	s0 =	rddreg [dreg:$0x0];
	s2 =	stileid.u32  }
0x75: {  	s1 =	rddreg [dreg:$0x1];
	p0 =	sne.s32 s2, $0x0  }
0x76: {  	s3 =	rddreg [dreg:$0x2];
	[bflag:$0x3] =	sbarrier.arrive $0xFFFF;
	s2 =	simm.s32 @!p0 $0x1C05  }
0x77: {  	[timem:s3], [sflag:s2] =	dma.local @!p0 [hbm:s0], s1  }
0x78: {  	s0 =	simm.s32 @!p0 $0x5  }
0x79: {  	_ =	swait.ge @!p0 [sflag:s0], s1  }
0x7a: {  	s1 =	ssub.s32 @!p0 $0x0, s1;
	[sflag:s0] =	ssyncset.done @!p0 $0x0  }
0x7b: {  	[sflag:s0] =	ssyncadd.s32 @!p0 s1  }
0x7c: {  	[bflag:$0x3] =	sbarrier.arrive $0xFFFF  }
0x7d: {  	_ =	shalt  }

</sc_bundles>
